<compile_context>
chip_gen: v7x
topology: tpu7x:2x2x1
jax: 0.10.2.dev20260603
libtpu: 0.0.44.dev20260713+nightly
codegen_flags: <defaults>
</compile_context>

<pallas_src>
import jax
import jax.numpy as jnp
from jax import lax
from jax.experimental import pallas as pl
from jax.experimental.pallas import tpu as pltpu
from jax.experimental.pallas import tpu_sc as plsc

NC = 2
NS = 16
NW = NC * NS
LANES = 16

BATCH = 4
SEQ_LEN = 4096
D_MODEL = 2048
ROWS_PER_W = SEQ_LEN // NW
TILE_R = 4
N_CHUNKS = ROWS_PER_W // TILE_R


def _sc_body(x_hbm, pos_hbm, out_hbm, *scratch):
    pos_v = scratch[0:2]
    x_v = scratch[2:4]
    ld = scratch[4:6]
    st = scratch[6:8]

    wid = lax.axis_index("s") * NC + lax.axis_index("c")
    s0 = wid * ROWS_PER_W

    def seq_row(k):
        return s0 + k * TILE_R

    def start_loads(k, ring):
        r = seq_row(k)
        pltpu.async_copy(pos_hbm.at[pl.ds(r, TILE_R)], pos_v[ring], ld[ring])
        pltpu.async_copy(x_hbm.at[:, pl.ds(r, TILE_R), :], x_v[ring], ld[ring])

    def wait_loads(k, ring):
        r = seq_row(k)
        pltpu.make_async_copy(
            pos_hbm.at[pl.ds(r, TILE_R)], pos_v[ring], ld[ring]
        ).wait()
        pltpu.make_async_copy(
            x_hbm.at[:, pl.ds(r, TILE_R), :], x_v[ring], ld[ring]
        ).wait()

    def start_stores(k, ring):
        r = seq_row(k)
        pltpu.async_copy(x_v[ring], out_hbm.at[:, pl.ds(r, TILE_R), :], st[ring])

    def wait_stores(k, ring):
        r = seq_row(k)
        pltpu.make_async_copy(
            x_v[ring], out_hbm.at[:, pl.ds(r, TILE_R), :], st[ring]
        ).wait()

    def compute(ring):
        buf = x_v[ring]
        pv = pos_v[ring]

        def row_body(r, _):
            @plsc.parallel_loop(0, D_MODEL, step=LANES, unroll=16)
            def _(j):
                p = pv[r, pl.ds(j, LANES)]
                for b in range(BATCH):
                    plsc.addupdate(buf.at[b, r, pl.ds(j, LANES)], p)

            return 0

        lax.fori_loop(0, TILE_R, row_body, 0)

    start_loads(0, 0)
    start_loads(1, 1)

    def pair_body(p, _):
        k0 = p * 2
        for ring in range(2):
            k = k0 + ring
            wait_loads(k, ring)
            compute(ring)
            start_stores(k, ring)

        for ring in range(2):
            k = k0 + ring

            @pl.when(k + 2 < N_CHUNKS)
            def _():
                wait_stores(k, ring)
                start_loads(k + 2, ring)

        return 0

    lax.fori_loop(0, N_CHUNKS // 2, pair_body, 0)

    wait_stores(N_CHUNKS - 2, 0)
    wait_stores(N_CHUNKS - 1, 1)


def _sc_add(x, pos_table):
    k = pl.kernel(
        _sc_body,
        out_type=jax.ShapeDtypeStruct((BATCH, SEQ_LEN, D_MODEL), jnp.float32),
        mesh=plsc.VectorSubcoreMesh(core_axis_name="c", subcore_axis_name="s"),
        scratch_types=(
            [pltpu.VMEM((TILE_R, D_MODEL), jnp.float32) for _ in range(2)]
            + [pltpu.VMEM((BATCH, TILE_R, D_MODEL), jnp.float32) for _ in range(2)]
            + [pltpu.SemaphoreType.DMA for _ in range(4)]
        ),
    )
    return k(x, pos_table)


def kernel(x, pos_table):
    return _sc_add(x, pos_table)

# --- scband reference (transcript-rebuilt; emitter-appended) ---
"""Pipeline reference for scband-learnable-positional-encoding-88270167867890 (READ-ONLY COPY).

The authoritative reference and input builder live on the scoring server;
editing this copy changes nothing except your own understanding.
"""

import jax, jax.numpy as jnp
import numpy as np

D_MODEL = 2048
MAX_LEN = 8192
BATCH = 4
SEQ_LEN = 4096

def setup_inputs(seed: int = 0) -> dict:
    key = jax.random.key(seed)
    k1, k2 = jax.random.split(key)
    x = jax.random.normal(k1, (BATCH, SEQ_LEN, D_MODEL), dtype=jnp.float32)
    # learned parameter: position embedding table, nn.Embedding default init ~ N(0,1)
    pos_table = jax.random.normal(k2, (MAX_LEN, D_MODEL), dtype=jnp.float32)
    return {"x": x, "pos_table": pos_table}

def reference(x, pos_table):
    batch_size, seq_len, _ = x.shape
    positions = jnp.arange(seq_len, dtype=jnp.int32)
    pos_emb = jnp.take(pos_table, positions, axis=0)  # (seq_len, d_model)
    pos_emb = pos_emb[None, :, :]                      # (1, seq_len, d_model)
    return x + pos_emb

if __name__ == "__main__":
    import jax
    _d = setup_inputs()
    print(jax.jit(kernel)(*tuple(_d.values())))

</pallas_src>

<mosaic_0001>
#map = affine_map<(d0, d1) -> (0, 0, 0)>
#map1 = affine_map<(d0, d1) -> (0, 0)>
module attributes {stable_mosaic.version = 14 : i64} {
  func.func @_sc_body(%arg0: i32, %arg1: i32, %arg2: memref<4x4096x2048xf32, #tpu.memory_space<hbm>>, %arg3: memref<8192x2048xf32, #tpu.memory_space<hbm>>, %arg4: memref<4x4096x2048xf32, #tpu.memory_space<hbm>>, %arg5: memref<4x2048xf32, #tpu.memory_space<vmem>>, %arg6: memref<4x2048xf32, #tpu.memory_space<vmem>>, %arg7: memref<4x4x2048xf32, #tpu.memory_space<vmem>>, %arg8: memref<4x4x2048xf32, #tpu.memory_space<vmem>>, %arg9: memref<!tpu.dma_semaphore, #tpu.memory_space<semaphore_mem>>, %arg10: memref<!tpu.dma_semaphore, #tpu.memory_space<semaphore_mem>>, %arg11: memref<!tpu.dma_semaphore, #tpu.memory_space<semaphore_mem>>, %arg12: memref<!tpu.dma_semaphore, #tpu.memory_space<semaphore_mem>>) attributes {dimension_semantics = [#tpu.dimension_semantics<core_parallel>, #tpu.dimension_semantics<subcore_parallel>], iteration_bounds = array<i64: 2, 16>, scalar_prefetch = 0 : i64, scratch_operands = 8 : i64, tpu.core_type = #tpu.core_type<sc_vector_subcore>, window_params = [{transform_indices = #map}, {transform_indices = #map1}, {transform_indices = #map}]} {
    %mul3A = arith.constant 2 : i32
    %mul3A_0 = arith.muli %arg1, %mul3A : i32
    %add3A = arith.addi %mul3A_0, %arg0 : i32
    %mul3A_1 = arith.constant 128 : i32
    %mul3A_2 = arith.muli %add3A, %mul3A_1 : i32
    %add3A_3 = arith.constant 0 : i32
    %add3A_4 = arith.addi %mul3A_2, %add3A_3 : i32
    %dma_start3A = arith.constant 0 : i32
    %dma_start3A_5 = tpu.memref_slice %arg3[%add3A_4, %dma_start3A] : memref<8192x2048xf32, #tpu.memory_space<hbm>> -> memref<4x2048xf32, #tpu.memory_space<hbm>>
    %dma_start3A_6 = arith.constant 0 : i32
    %dma_start3A_7 = tpu.memref_slice %arg3[%add3A_4, %dma_start3A_6] : memref<8192x2048xf32, #tpu.memory_space<hbm>> -> memref<4x2048xf32, #tpu.memory_space<hbm>>
    tpu.enqueue_dma source(%dma_start3A_7 : memref<4x2048xf32, #tpu.memory_space<hbm>>) target(%arg5 : memref<4x2048xf32, #tpu.memory_space<vmem>>) target_semaphore(%arg9 : memref<!tpu.dma_semaphore, #tpu.memory_space<semaphore_mem>>)
    %dma_start3A_8 = arith.constant 0 : i32
    %dma_start3A_9 = arith.constant 0 : i32
    %dma_start3A_10 = tpu.memref_slice %arg2[%dma_start3A_8, %add3A_4, %dma_start3A_9] : memref<4x4096x2048xf32, #tpu.memory_space<hbm>> -> memref<4x4x2048xf32, #tpu.memory_space<hbm>>
    %dma_start3A_11 = arith.constant 0 : i32
    %dma_start3A_12 = arith.constant 0 : i32
    %dma_start3A_13 = tpu.memref_slice %arg2[%dma_start3A_11, %add3A_4, %dma_start3A_12] : memref<4x4096x2048xf32, #tpu.memory_space<hbm>> -> memref<4x4x2048xf32, #tpu.memory_space<hbm>>
    tpu.enqueue_dma source(%dma_start3A_13 : memref<4x4x2048xf32, #tpu.memory_space<hbm>>) target(%arg7 : memref<4x4x2048xf32, #tpu.memory_space<vmem>>) target_semaphore(%arg9 : memref<!tpu.dma_semaphore, #tpu.memory_space<semaphore_mem>>)
    %add3A_14 = arith.constant 4 : i32
    %add3A_15 = arith.addi %mul3A_2, %add3A_14 : i32
    %dma_start3A_16 = arith.constant 0 : i32
    %dma_start3A_17 = tpu.memref_slice %arg3[%add3A_15, %dma_start3A_16] : memref<8192x2048xf32, #tpu.memory_space<hbm>> -> memref<4x2048xf32, #tpu.memory_space<hbm>>
    %dma_start3A_18 = arith.constant 0 : i32
    %dma_start3A_19 = tpu.memref_slice %arg3[%add3A_15, %dma_start3A_18] : memref<8192x2048xf32, #tpu.memory_space<hbm>> -> memref<4x2048xf32, #tpu.memory_space<hbm>>
    tpu.enqueue_dma source(%dma_start3A_19 : memref<4x2048xf32, #tpu.memory_space<hbm>>) target(%arg6 : memref<4x2048xf32, #tpu.memory_space<vmem>>) target_semaphore(%arg10 : memref<!tpu.dma_semaphore, #tpu.memory_space<semaphore_mem>>)
    %dma_start3A_20 = arith.constant 0 : i32
    %dma_start3A_21 = arith.constant 0 : i32
    %dma_start3A_22 = tpu.memref_slice %arg2[%dma_start3A_20, %add3A_15, %dma_start3A_21] : memref<4x4096x2048xf32, #tpu.memory_space<hbm>> -> memref<4x4x2048xf32, #tpu.memory_space<hbm>>
    %dma_start3A_23 = arith.constant 0 : i32
    %dma_start3A_24 = arith.constant 0 : i32
    %dma_start3A_25 = tpu.memref_slice %arg2[%dma_start3A_23, %add3A_15, %dma_start3A_24] : memref<4x4096x2048xf32, #tpu.memory_space<hbm>> -> memref<4x4x2048xf32, #tpu.memory_space<hbm>>
    tpu.enqueue_dma source(%dma_start3A_25 : memref<4x4x2048xf32, #tpu.memory_space<hbm>>) target(%arg8 : memref<4x4x2048xf32, #tpu.memory_space<vmem>>) target_semaphore(%arg10 : memref<!tpu.dma_semaphore, #tpu.memory_space<semaphore_mem>>)
    %scan3A = arith.constant 0 : i32
    %scan3A_26 = arith.constant 0 : i32
    %scan3A_27 = arith.constant 16 : i32
    %scan3A_28 = arith.addi %scan3A_26, %scan3A_27 : i32
    %scan3A_29 = arith.constant 1 : i32
    %scan3A_30 = scf.for %scan3A_47 = %scan3A_26 to %scan3A_28 step %scan3A_29 iter_args(%scan3A_48 = %scan3A) -> (i32)  : i32 {
      %mul3A_49 = arith.constant 2 : i32
      %mul3A_50 = arith.muli %scan3A_47, %mul3A_49 : i32
      %add3A_51 = arith.constant 0 : i32
      %add3A_52 = arith.addi %mul3A_50, %add3A_51 : i32
      %mul3A_53 = arith.constant 4 : i32
      %mul3A_54 = arith.muli %add3A_52, %mul3A_53 : i32
      %add3A_55 = arith.addi %mul3A_2, %mul3A_54 : i32
      %dma_wait3A_56 = arith.constant 0 : i32
      %dma_wait3A_57 = tpu.memref_slice %arg3[%add3A_55, %dma_wait3A_56] : memref<8192x2048xf32, #tpu.memory_space<hbm>> -> memref<4x2048xf32, #tpu.memory_space<hbm>>
      %dma_wait3A_58 = arith.constant 0 : i32
      %dma_wait3A_59 = tpu.memref_slice %arg3[%add3A_55, %dma_wait3A_58] : memref<8192x2048xf32, #tpu.memory_space<hbm>> -> memref<4x2048xf32, #tpu.memory_space<hbm>>
      tpu.wait_dma2 semaphore(%arg9 : memref<!tpu.dma_semaphore, #tpu.memory_space<semaphore_mem>>) src(%dma_wait3A_59 : memref<4x2048xf32, #tpu.memory_space<hbm>>) dst(%arg5 : memref<4x2048xf32, #tpu.memory_space<vmem>>)
      %dma_wait3A_60 = arith.constant 0 : i32
      %dma_wait3A_61 = arith.constant 0 : i32
      %dma_wait3A_62 = tpu.memref_slice %arg2[%dma_wait3A_60, %add3A_55, %dma_wait3A_61] : memref<4x4096x2048xf32, #tpu.memory_space<hbm>> -> memref<4x4x2048xf32, #tpu.memory_space<hbm>>
      %dma_wait3A_63 = arith.constant 0 : i32
      %dma_wait3A_64 = arith.constant 0 : i32
      %dma_wait3A_65 = tpu.memref_slice %arg2[%dma_wait3A_63, %add3A_55, %dma_wait3A_64] : memref<4x4096x2048xf32, #tpu.memory_space<hbm>> -> memref<4x4x2048xf32, #tpu.memory_space<hbm>>
      tpu.wait_dma2 semaphore(%arg9 : memref<!tpu.dma_semaphore, #tpu.memory_space<semaphore_mem>>) src(%dma_wait3A_65 : memref<4x4x2048xf32, #tpu.memory_space<hbm>>) dst(%arg7 : memref<4x4x2048xf32, #tpu.memory_space<vmem>>)
      %scan3A_66 = arith.constant 0 : i32
      %scan3A_67 = arith.constant 0 : i32
      %scan3A_68 = arith.constant 4 : i32
      %scan3A_69 = arith.addi %scan3A_67, %scan3A_68 : i32
      %scan3A_70 = arith.constant 1 : i32
      %scan3A_71 = scf.for %scan3A_129 = %scan3A_67 to %scan3A_69 step %scan3A_70 iter_args(%scan3A_130 = %scan3A_66) -> (i32)  : i32 {
        %parallel_loop3A = arith.constant 0 : i32
        %parallel_loop3A_131 = arith.constant 2048 : i32
        %parallel_loop3A_132 = arith.constant 16 : i32
        scf.for %parallel_loop3A_134 = %parallel_loop3A to %parallel_loop3A_131 step %parallel_loop3A_132  : i32 {
          %parallel_loop3A_135 = arith.index_cast %scan3A_129 : i32 to index
          %parallel_loop3A_136 = arith.index_cast %parallel_loop3A_134 : i32 to index
          %parallel_loop3A_137 = tpu.vector_load %arg5[%parallel_loop3A_135, %parallel_loop3A_136] {strides = array<i32>} : memref<4x2048xf32, #tpu.memory_space<vmem>>, vector<1x16xf32>,
          %parallel_loop3A_138 = vector.shape_cast %parallel_loop3A_137 : vector<1x16xf32> to vector<16xf32>
          %parallel_loop3A_139 = arith.constant 0 : i32
          %parallel_loop3A_140 = arith.index_cast %parallel_loop3A_139 : i32 to index
          %parallel_loop3A_141 = arith.index_cast %scan3A_129 : i32 to index
          %parallel_loop3A_142 = arith.index_cast %parallel_loop3A_134 : i32 to index
          %parallel_loop3A_143 = tpu.vector_load %arg7[%parallel_loop3A_140, %parallel_loop3A_141, %parallel_loop3A_142] {strides = array<i32>} : memref<4x4x2048xf32, #tpu.memory_space<vmem>>, vector<1x1x16xf32>,
          %parallel_loop3A_144 = vector.shape_cast %parallel_loop3A_143 : vector<1x1x16xf32> to vector<16xf32>
          %parallel_loop3A_145 = vector.shape_cast %parallel_loop3A_138 : vector<16xf32> to vector<1x1x16xf32>
          tpu.vector_store %arg7[%parallel_loop3A_140, %parallel_loop3A_141, %parallel_loop3A_142], %parallel_loop3A_145 {add = true, strides = array<i32>} : memref<4x4x2048xf32, #tpu.memory_space<vmem>>, vector<1x1x16xf32>,
          %parallel_loop3A_146 = arith.constant 1 : i32
          %parallel_loop3A_147 = arith.index_cast %parallel_loop3A_146 : i32 to index
          %parallel_loop3A_148 = arith.index_cast %scan3A_129 : i32 to index
          %parallel_loop3A_149 = arith.index_cast %parallel_loop3A_134 : i32 to index
          %parallel_loop3A_150 = tpu.vector_load %arg7[%parallel_loop3A_147, %parallel_loop3A_148, %parallel_loop3A_149] {strides = array<i32>} : memref<4x4x2048xf32, #tpu.memory_space<vmem>>, vector<1x1x16xf32>,
          %parallel_loop3A_151 = vector.shape_cast %parallel_loop3A_150 : vector<1x1x16xf32> to vector<16xf32>
          %parallel_loop3A_152 = vector.shape_cast %parallel_loop3A_138 : vector<16xf32> to vector<1x1x16xf32>
          tpu.vector_store %arg7[%parallel_loop3A_147, %parallel_loop3A_148, %parallel_loop3A_149], %parallel_loop3A_152 {add = true, strides = array<i32>} : memref<4x4x2048xf32, #tpu.memory_space<vmem>>, vector<1x1x16xf32>,
          %parallel_loop3A_153 = arith.constant 2 : i32
          %parallel_loop3A_154 = arith.index_cast %parallel_loop3A_153 : i32 to index
          %parallel_loop3A_155 = arith.index_cast %scan3A_129 : i32 to index
          %parallel_loop3A_156 = arith.index_cast %parallel_loop3A_134 : i32 to index
          %parallel_loop3A_157 = tpu.vector_load %arg7[%parallel_loop3A_154, %parallel_loop3A_155, %parallel_loop3A_156] {strides = array<i32>} : memref<4x4x2048xf32, #tpu.memory_space<vmem>>, vector<1x1x16xf32>,
          %parallel_loop3A_158 = vector.shape_cast %parallel_loop3A_157 : vector<1x1x16xf32> to vector<16xf32>
          %parallel_loop3A_159 = vector.shape_cast %parallel_loop3A_138 : vector<16xf32> to vector<1x1x16xf32>
          tpu.vector_store %arg7[%parallel_loop3A_154, %parallel_loop3A_155, %parallel_loop3A_156], %parallel_loop3A_159 {add = true, strides = array<i32>} : memref<4x4x2048xf32, #tpu.memory_space<vmem>>, vector<1x1x16xf32>,
          %parallel_loop3A_160 = arith.constant 3 : i32
          %parallel_loop3A_161 = arith.index_cast %parallel_loop3A_160 : i32 to index
          %parallel_loop3A_162 = arith.index_cast %scan3A_129 : i32 to index
          %parallel_loop3A_163 = arith.index_cast %parallel_loop3A_134 : i32 to index
          %parallel_loop3A_164 = tpu.vector_load %arg7[%parallel_loop3A_161, %parallel_loop3A_162, %parallel_loop3A_163] {strides = array<i32>} : memref<4x4x2048xf32, #tpu.memory_space<vmem>>, vector<1x1x16xf32>,
          %parallel_loop3A_165 = vector.shape_cast %parallel_loop3A_164 : vector<1x1x16xf32> to vector<16xf32>
          %parallel_loop3A_166 = vector.shape_cast %parallel_loop3A_138 : vector<16xf32> to vector<1x1x16xf32>
          tpu.vector_store %arg7[%parallel_loop3A_161, %parallel_loop3A_162, %parallel_loop3A_163], %parallel_loop3A_166 {add = true, strides = array<i32>} : memref<4x4x2048xf32, #tpu.memory_space<vmem>>, vector<1x1x16xf32>,
        } {sc.loop_unroll_factor = 16 : i64, sc.parallel_access}
        %scan3A_133 = arith.constant 0 : i32
        scf.yield %scan3A_133 : i32
      }
      %scan3A_72 = arith.constant 4 : i32
      %mul3A_73 = arith.constant 4 : i32
      %mul3A_74 = arith.muli %add3A_52, %mul3A_73 : i32
      %add3A_75 = arith.addi %mul3A_2, %mul3A_74 : i32
      %dma_start3A_76 = arith.constant 0 : i32
      %dma_start3A_77 = arith.constant 0 : i32
      %dma_start3A_78 = tpu.memref_slice %arg4[%dma_start3A_76, %add3A_75, %dma_start3A_77] : memref<4x4096x2048xf32, #tpu.memory_space<hbm>> -> memref<4x4x2048xf32, #tpu.memory_space<hbm>>
      %dma_start3A_79 = arith.constant 0 : i32
      %dma_start3A_80 = arith.constant 0 : i32
      %dma_start3A_81 = tpu.memref_slice %arg4[%dma_start3A_79, %add3A_75, %dma_start3A_80] : memref<4x4096x2048xf32, #tpu.memory_space<hbm>> -> memref<4x4x2048xf32, #tpu.memory_space<hbm>>
      tpu.enqueue_dma source(%arg7 : memref<4x4x2048xf32, #tpu.memory_space<vmem>>) target(%dma_start3A_81 : memref<4x4x2048xf32, #tpu.memory_space<hbm>>) target_semaphore(%arg11 : memref<!tpu.dma_semaphore, #tpu.memory_space<semaphore_mem>>)
      %add3A_82 = arith.constant 1 : i32
      %add3A_83 = arith.addi %mul3A_50, %add3A_82 : i32
      %mul3A_84 = arith.constant 4 : i32
      %mul3A_85 = arith.muli %add3A_83, %mul3A_84 : i32
      %add3A_86 = arith.addi %mul3A_2, %mul3A_85 : i32
      %dma_wait3A_87 = arith.constant 0 : i32
      %dma_wait3A_88 = tpu.memref_slice %arg3[%add3A_86, %dma_wait3A_87] : memref<8192x2048xf32, #tpu.memory_space<hbm>> -> memref<4x2048xf32, #tpu.memory_space<hbm>>
      %dma_wait3A_89 = arith.constant 0 : i32
      %dma_wait3A_90 = tpu.memref_slice %arg3[%add3A_86, %dma_wait3A_89] : memref<8192x2048xf32, #tpu.memory_space<hbm>> -> memref<4x2048xf32, #tpu.memory_space<hbm>>
      tpu.wait_dma2 semaphore(%arg10 : memref<!tpu.dma_semaphore, #tpu.memory_space<semaphore_mem>>) src(%dma_wait3A_90 : memref<4x2048xf32, #tpu.memory_space<hbm>>) dst(%arg6 : memref<4x2048xf32, #tpu.memory_space<vmem>>)
      %dma_wait3A_91 = arith.constant 0 : i32
      %dma_wait3A_92 = arith.constant 0 : i32
      %dma_wait3A_93 = tpu.memref_slice %arg2[%dma_wait3A_91, %add3A_86, %dma_wait3A_92] : memref<4x4096x2048xf32, #tpu.memory_space<hbm>> -> memref<4x4x2048xf32, #tpu.memory_space<hbm>>
      %dma_wait3A_94 = arith.constant 0 : i32
      %dma_wait3A_95 = arith.constant 0 : i32
      %dma_wait3A_96 = tpu.memref_slice %arg2[%dma_wait3A_94, %add3A_86, %dma_wait3A_95] : memref<4x4096x2048xf32, #tpu.memory_space<hbm>> -> memref<4x4x2048xf32, #tpu.memory_space<hbm>>
      tpu.wait_dma2 semaphore(%arg10 : memref<!tpu.dma_semaphore, #tpu.memory_space<semaphore_mem>>) src(%dma_wait3A_96 : memref<4x4x2048xf32, #tpu.memory_space<hbm>>) dst(%arg8 : memref<4x4x2048xf32, #tpu.memory_space<vmem>>)
      %scan3A_97 = arith.constant 0 : i32
      %scan3A_98 = arith.constant 0 : i32
      %scan3A_99 = arith.constant 4 : i32
      %scan3A_100 = arith.addi %scan3A_98, %scan3A_99 : i32
      %scan3A_101 = arith.constant 1 : i32
      %scan3A_102 = scf.for %scan3A_129 = %scan3A_98 to %scan3A_100 step %scan3A_101 iter_args(%scan3A_130 = %scan3A_97) -> (i32)  : i32 {
        %parallel_loop3A = arith.constant 0 : i32
        %parallel_loop3A_131 = arith.constant 2048 : i32
        %parallel_loop3A_132 = arith.constant 16 : i32
        scf.for %parallel_loop3A_134 = %parallel_loop3A to %parallel_loop3A_131 step %parallel_loop3A_132  : i32 {
          %parallel_loop3A_135 = arith.index_cast %scan3A_129 : i32 to index
          %parallel_loop3A_136 = arith.index_cast %parallel_loop3A_134 : i32 to index
          %parallel_loop3A_137 = tpu.vector_load %arg6[%parallel_loop3A_135, %parallel_loop3A_136] {strides = array<i32>} : memref<4x2048xf32, #tpu.memory_space<vmem>>, vector<1x16xf32>,
          %parallel_loop3A_138 = vector.shape_cast %parallel_loop3A_137 : vector<1x16xf32> to vector<16xf32>
          %parallel_loop3A_139 = arith.constant 0 : i32
          %parallel_loop3A_140 = arith.index_cast %parallel_loop3A_139 : i32 to index
          %parallel_loop3A_141 = arith.index_cast %scan3A_129 : i32 to index
          %parallel_loop3A_142 = arith.index_cast %parallel_loop3A_134 : i32 to index
          %parallel_loop3A_143 = tpu.vector_load %arg8[%parallel_loop3A_140, %parallel_loop3A_141, %parallel_loop3A_142] {strides = array<i32>} : memref<4x4x2048xf32, #tpu.memory_space<vmem>>, vector<1x1x16xf32>,
          %parallel_loop3A_144 = vector.shape_cast %parallel_loop3A_143 : vector<1x1x16xf32> to vector<16xf32>
          %parallel_loop3A_145 = vector.shape_cast %parallel_loop3A_138 : vector<16xf32> to vector<1x1x16xf32>
          tpu.vector_store %arg8[%parallel_loop3A_140, %parallel_loop3A_141, %parallel_loop3A_142], %parallel_loop3A_145 {add = true, strides = array<i32>} : memref<4x4x2048xf32, #tpu.memory_space<vmem>>, vector<1x1x16xf32>,
          %parallel_loop3A_146 = arith.constant 1 : i32
          %parallel_loop3A_147 = arith.index_cast %parallel_loop3A_146 : i32 to index
          %parallel_loop3A_148 = arith.index_cast %scan3A_129 : i32 to index
          %parallel_loop3A_149 = arith.index_cast %parallel_loop3A_134 : i32 to index
          %parallel_loop3A_150 = tpu.vector_load %arg8[%parallel_loop3A_147, %parallel_loop3A_148, %parallel_loop3A_149] {strides = array<i32>} : memref<4x4x2048xf32, #tpu.memory_space<vmem>>, vector<1x1x16xf32>,
          %parallel_loop3A_151 = vector.shape_cast %parallel_loop3A_150 : vector<1x1x16xf32> to vector<16xf32>
          %parallel_loop3A_152 = vector.shape_cast %parallel_loop3A_138 : vector<16xf32> to vector<1x1x16xf32>
          tpu.vector_store %arg8[%parallel_loop3A_147, %parallel_loop3A_148, %parallel_loop3A_149], %parallel_loop3A_152 {add = true, strides = array<i32>} : memref<4x4x2048xf32, #tpu.memory_space<vmem>>, vector<1x1x16xf32>,
          %parallel_loop3A_153 = arith.constant 2 : i32
          %parallel_loop3A_154 = arith.index_cast %parallel_loop3A_153 : i32 to index
          %parallel_loop3A_155 = arith.index_cast %scan3A_129 : i32 to index
          %parallel_loop3A_156 = arith.index_cast %parallel_loop3A_134 : i32 to index
          %parallel_loop3A_157 = tpu.vector_load %arg8[%parallel_loop3A_154, %parallel_loop3A_155, %parallel_loop3A_156] {strides = array<i32>} : memref<4x4x2048xf32, #tpu.memory_space<vmem>>, vector<1x1x16xf32>,
          %parallel_loop3A_158 = vector.shape_cast %parallel_loop3A_157 : vector<1x1x16xf32> to vector<16xf32>
          %parallel_loop3A_159 = vector.shape_cast %parallel_loop3A_138 : vector<16xf32> to vector<1x1x16xf32>
          tpu.vector_store %arg8[%parallel_loop3A_154, %parallel_loop3A_155, %parallel_loop3A_156], %parallel_loop3A_159 {add = true, strides = array<i32>} : memref<4x4x2048xf32, #tpu.memory_space<vmem>>, vector<1x1x16xf32>,
          %parallel_loop3A_160 = arith.constant 3 : i32
          %parallel_loop3A_161 = arith.index_cast %parallel_loop3A_160 : i32 to index
          %parallel_loop3A_162 = arith.index_cast %scan3A_129 : i32 to index
          %parallel_loop3A_163 = arith.index_cast %parallel_loop3A_134 : i32 to index
          %parallel_loop3A_164 = tpu.vector_load %arg8[%parallel_loop3A_161, %parallel_loop3A_162, %parallel_loop3A_163] {strides = array<i32>} : memref<4x4x2048xf32, #tpu.memory_space<vmem>>, vector<1x1x16xf32>,
          %parallel_loop3A_165 = vector.shape_cast %parallel_loop3A_164 : vector<1x1x16xf32> to vector<16xf32>
          %parallel_loop3A_166 = vector.shape_cast %parallel_loop3A_138 : vector<16xf32> to vector<1x1x16xf32>
          tpu.vector_store %arg8[%parallel_loop3A_161, %parallel_loop3A_162, %parallel_loop3A_163], %parallel_loop3A_166 {add = true, strides = array<i32>} : memref<4x4x2048xf32, #tpu.memory_space<vmem>>, vector<1x1x16xf32>,
        } {sc.loop_unroll_factor = 16 : i64, sc.parallel_access}
        %scan3A_133 = arith.constant 0 : i32
        scf.yield %scan3A_133 : i32
      }
      %scan3A_103 = arith.constant 4 : i32
      %mul3A_104 = arith.constant 4 : i32
      %mul3A_105 = arith.muli %add3A_83, %mul3A_104 : i32
      %add3A_106 = arith.addi %mul3A_2, %mul3A_105 : i32
      %dma_start3A_107 = arith.constant 0 : i32
      %dma_start3A_108 = arith.constant 0 : i32
      %dma_start3A_109 = tpu.memref_slice %arg4[%dma_start3A_107, %add3A_106, %dma_start3A_108] : memref<4x4096x2048xf32, #tpu.memory_space<hbm>> -> memref<4x4x2048xf32, #tpu.memory_space<hbm>>
      %dma_start3A_110 = arith.constant 0 : i32
      %dma_start3A_111 = arith.constant 0 : i32
      %dma_start3A_112 = tpu.memref_slice %arg4[%dma_start3A_110, %add3A_106, %dma_start3A_111] : memref<4x4096x2048xf32, #tpu.memory_space<hbm>> -> memref<4x4x2048xf32, #tpu.memory_space<hbm>>
      tpu.enqueue_dma source(%arg8 : memref<4x4x2048xf32, #tpu.memory_space<vmem>>) target(%dma_start3A_112 : memref<4x4x2048xf32, #tpu.memory_space<hbm>>) target_semaphore(%arg12 : memref<!tpu.dma_semaphore, #tpu.memory_space<semaphore_mem>>)
      %add3A_113 = arith.constant 0 : i32
      %add3A_114 = arith.addi %mul3A_50, %add3A_113 : i32
      %add3A_115 = arith.constant 2 : i32
      %add3A_116 = arith.addi %add3A_114, %add3A_115 : i32
      %lt3A = arith.constant 32 : i32
      %lt3A_117 = arith.cmpi slt, %add3A_116, %lt3A : i32
      %convert_element_type3A = arith.extui %lt3A_117 : i1 to i32
      %cond3A = arith.constant 0 : i32
      %cond3A_118 = arith.cmpi ne, %convert_element_type3A, %cond3A : i32
      scf.if %cond3A_118 {
        %mul3A_129 = arith.constant 4 : i32
        %mul3A_130 = arith.muli %add3A_114, %mul3A_129 : i32
        %add3A_131 = arith.addi %mul3A_2, %mul3A_130 : i32
        %dma_wait3A_132 = arith.constant 0 : i32
        %dma_wait3A_133 = arith.constant 0 : i32
        %dma_wait3A_134 = tpu.memref_slice %arg4[%dma_wait3A_132, %add3A_131, %dma_wait3A_133] : memref<4x4096x2048xf32, #tpu.memory_space<hbm>> -> memref<4x4x2048xf32, #tpu.memory_space<hbm>>
        %dma_wait3A_135 = arith.constant 0 : i32
        %dma_wait3A_136 = arith.constant 0 : i32
        %dma_wait3A_137 = tpu.memref_slice %arg4[%dma_wait3A_135, %add3A_131, %dma_wait3A_136] : memref<4x4096x2048xf32, #tpu.memory_space<hbm>> -> memref<4x4x2048xf32, #tpu.memory_space<hbm>>
        tpu.wait_dma2 semaphore(%arg11 : memref<!tpu.dma_semaphore, #tpu.memory_space<semaphore_mem>>) src(%arg7 : memref<4x4x2048xf32, #tpu.memory_space<vmem>>) dst(%dma_wait3A_137 : memref<4x4x2048xf32, #tpu.memory_space<hbm>>)
        %add3A_138 = arith.constant 2 : i32
        %add3A_139 = arith.addi %add3A_114, %add3A_138 : i32
        %mul3A_140 = arith.constant 4 : i32
        %mul3A_141 = arith.muli %add3A_139, %mul3A_140 : i32
        %add3A_142 = arith.addi %mul3A_2, %mul3A_141 : i32
        %dma_start3A_143 = arith.constant 0 : i32
        %dma_start3A_144 = tpu.memref_slice %arg3[%add3A_142, %dma_start3A_143] : memref<8192x2048xf32, #tpu.memory_space<hbm>> -> memref<4x2048xf32, #tpu.memory_space<hbm>>
        %dma_start3A_145 = arith.constant 0 : i32
        %dma_start3A_146 = tpu.memref_slice %arg3[%add3A_142, %dma_start3A_145] : memref<8192x2048xf32, #tpu.memory_space<hbm>> -> memref<4x2048xf32, #tpu.memory_space<hbm>>
        tpu.enqueue_dma source(%dma_start3A_146 : memref<4x2048xf32, #tpu.memory_space<hbm>>) target(%arg5 : memref<4x2048xf32, #tpu.memory_space<vmem>>) target_semaphore(%arg9 : memref<!tpu.dma_semaphore, #tpu.memory_space<semaphore_mem>>)
        %dma_start3A_147 = arith.constant 0 : i32
        %dma_start3A_148 = arith.constant 0 : i32
        %dma_start3A_149 = tpu.memref_slice %arg2[%dma_start3A_147, %add3A_142, %dma_start3A_148] : memref<4x4096x2048xf32, #tpu.memory_space<hbm>> -> memref<4x4x2048xf32, #tpu.memory_space<hbm>>
        %dma_start3A_150 = arith.constant 0 : i32
        %dma_start3A_151 = arith.constant 0 : i32
        %dma_start3A_152 = tpu.memref_slice %arg2[%dma_start3A_150, %add3A_142, %dma_start3A_151] : memref<4x4096x2048xf32, #tpu.memory_space<hbm>> -> memref<4x4x2048xf32, #tpu.memory_space<hbm>>
        tpu.enqueue_dma source(%dma_start3A_152 : memref<4x4x2048xf32, #tpu.memory_space<hbm>>) target(%arg7 : memref<4x4x2048xf32, #tpu.memory_space<vmem>>) target_semaphore(%arg9 : memref<!tpu.dma_semaphore, #tpu.memory_space<semaphore_mem>>)
      } else {
      }
      %add3A_119 = arith.constant 1 : i32
      %add3A_120 = arith.addi %mul3A_50, %add3A_119 : i32
      %add3A_121 = arith.constant 2 : i32
      %add3A_122 = arith.addi %add3A_120, %add3A_121 : i32
      %lt3A_123 = arith.constant 32 : i32
      %lt3A_124 = arith.cmpi slt, %add3A_122, %lt3A_123 : i32
      %convert_element_type3A_125 = arith.extui %lt3A_124 : i1 to i32
      %cond3A_126 = arith.constant 0 : i32
      %cond3A_127 = arith.cmpi ne, %convert_element_type3A_125, %cond3A_126 : i32
      scf.if %cond3A_127 {
        %mul3A_129 = arith.constant 4 : i32
        %mul3A_130 = arith.muli %add3A_120, %mul3A_129 : i32
        %add3A_131 = arith.addi %mul3A_2, %mul3A_130 : i32
        %dma_wait3A_132 = arith.constant 0 : i32
        %dma_wait3A_133 = arith.constant 0 : i32
        %dma_wait3A_134 = tpu.memref_slice %arg4[%dma_wait3A_132, %add3A_131, %dma_wait3A_133] : memref<4x4096x2048xf32, #tpu.memory_space<hbm>> -> memref<4x4x2048xf32, #tpu.memory_space<hbm>>
        %dma_wait3A_135 = arith.constant 0 : i32
        %dma_wait3A_136 = arith.constant 0 : i32
        %dma_wait3A_137 = tpu.memref_slice %arg4[%dma_wait3A_135, %add3A_131, %dma_wait3A_136] : memref<4x4096x2048xf32, #tpu.memory_space<hbm>> -> memref<4x4x2048xf32, #tpu.memory_space<hbm>>
        tpu.wait_dma2 semaphore(%arg12 : memref<!tpu.dma_semaphore, #tpu.memory_space<semaphore_mem>>) src(%arg8 : memref<4x4x2048xf32, #tpu.memory_space<vmem>>) dst(%dma_wait3A_137 : memref<4x4x2048xf32, #tpu.memory_space<hbm>>)
        %add3A_138 = arith.constant 2 : i32
        %add3A_139 = arith.addi %add3A_120, %add3A_138 : i32
        %mul3A_140 = arith.constant 4 : i32
        %mul3A_141 = arith.muli %add3A_139, %mul3A_140 : i32
        %add3A_142 = arith.addi %mul3A_2, %mul3A_141 : i32
        %dma_start3A_143 = arith.constant 0 : i32
        %dma_start3A_144 = tpu.memref_slice %arg3[%add3A_142, %dma_start3A_143] : memref<8192x2048xf32, #tpu.memory_space<hbm>> -> memref<4x2048xf32, #tpu.memory_space<hbm>>
        %dma_start3A_145 = arith.constant 0 : i32
        %dma_start3A_146 = tpu.memref_slice %arg3[%add3A_142, %dma_start3A_145] : memref<8192x2048xf32, #tpu.memory_space<hbm>> -> memref<4x2048xf32, #tpu.memory_space<hbm>>
        tpu.enqueue_dma source(%dma_start3A_146 : memref<4x2048xf32, #tpu.memory_space<hbm>>) target(%arg6 : memref<4x2048xf32, #tpu.memory_space<vmem>>) target_semaphore(%arg10 : memref<!tpu.dma_semaphore, #tpu.memory_space<semaphore_mem>>)
        %dma_start3A_147 = arith.constant 0 : i32
        %dma_start3A_148 = arith.constant 0 : i32
        %dma_start3A_149 = tpu.memref_slice %arg2[%dma_start3A_147, %add3A_142, %dma_start3A_148] : memref<4x4096x2048xf32, #tpu.memory_space<hbm>> -> memref<4x4x2048xf32, #tpu.memory_space<hbm>>
        %dma_start3A_150 = arith.constant 0 : i32
        %dma_start3A_151 = arith.constant 0 : i32
        %dma_start3A_152 = tpu.memref_slice %arg2[%dma_start3A_150, %add3A_142, %dma_start3A_151] : memref<4x4096x2048xf32, #tpu.memory_space<hbm>> -> memref<4x4x2048xf32, #tpu.memory_space<hbm>>
        tpu.enqueue_dma source(%dma_start3A_152 : memref<4x4x2048xf32, #tpu.memory_space<hbm>>) target(%arg8 : memref<4x4x2048xf32, #tpu.memory_space<vmem>>) target_semaphore(%arg10 : memref<!tpu.dma_semaphore, #tpu.memory_space<semaphore_mem>>)
      } else {
      }
      %scan3A_128 = arith.constant 0 : i32
      scf.yield %scan3A_128 : i32
    }
    %scan3A_31 = arith.constant 16 : i32
    %add3A_32 = arith.constant 120 : i32
    %add3A_33 = arith.addi %mul3A_2, %add3A_32 : i32
    %dma_wait3A = arith.constant 0 : i32
    %dma_wait3A_34 = arith.constant 0 : i32
    %dma_wait3A_35 = tpu.memref_slice %arg4[%dma_wait3A, %add3A_33, %dma_wait3A_34] : memref<4x4096x2048xf32, #tpu.memory_space<hbm>> -> memref<4x4x2048xf32, #tpu.memory_space<hbm>>
    %dma_wait3A_36 = arith.constant 0 : i32
    %dma_wait3A_37 = arith.constant 0 : i32
    %dma_wait3A_38 = tpu.memref_slice %arg4[%dma_wait3A_36, %add3A_33, %dma_wait3A_37] : memref<4x4096x2048xf32, #tpu.memory_space<hbm>> -> memref<4x4x2048xf32, #tpu.memory_space<hbm>>
    tpu.wait_dma2 semaphore(%arg11 : memref<!tpu.dma_semaphore, #tpu.memory_space<semaphore_mem>>) src(%arg7 : memref<4x4x2048xf32, #tpu.memory_space<vmem>>) dst(%dma_wait3A_38 : memref<4x4x2048xf32, #tpu.memory_space<hbm>>)
    %add3A_39 = arith.constant 124 : i32
    %add3A_40 = arith.addi %mul3A_2, %add3A_39 : i32
    %dma_wait3A_41 = arith.constant 0 : i32
    %dma_wait3A_42 = arith.constant 0 : i32
    %dma_wait3A_43 = tpu.memref_slice %arg4[%dma_wait3A_41, %add3A_40, %dma_wait3A_42] : memref<4x4096x2048xf32, #tpu.memory_space<hbm>> -> memref<4x4x2048xf32, #tpu.memory_space<hbm>>
    %dma_wait3A_44 = arith.constant 0 : i32
    %dma_wait3A_45 = arith.constant 0 : i32
    %dma_wait3A_46 = tpu.memref_slice %arg4[%dma_wait3A_44, %add3A_40, %dma_wait3A_45] : memref<4x4096x2048xf32, #tpu.memory_space<hbm>> -> memref<4x4x2048xf32, #tpu.memory_space<hbm>>
    tpu.wait_dma2 semaphore(%arg12 : memref<!tpu.dma_semaphore, #tpu.memory_space<semaphore_mem>>) src(%arg8 : memref<4x4x2048xf32, #tpu.memory_space<vmem>>) dst(%dma_wait3A_46 : memref<4x4x2048xf32, #tpu.memory_space<hbm>>)
    return
  }
}

</mosaic_0001>

<sc_bundles>
// kernel: kernel.3.cloned.1.call-start
scs
__scs_entry_jumppad:
0x0: {  	(pc) =	sbr.rel $0x88, $3  }
0x1: {  	(tag) =	ssettag $0x0;
	lr =	simm.s32 $0x1  }
0x2: {  	[smem:$0x3F9F] =	sst lr;
	_ =	strace $0xD0000000  }
0x3: {  	_ = 	snop  }
0x4: {  	_ = 	snop  }
0x5: {  	_ = 	snop  }
0x6: {  	_ = 	snop  }
0x7: {  	_ = 	snop  }
__scs_overlays_trampoline_lowered:
0x8: {  	[smem:$0x3FAE] =	sst s0  }
0x9: {  	[smem:$0x3FAF] =	sst s1  }
0xa: {  	[smem:$0x3FB0] =	sst s2  }
0xb: {  	[smem:$0x3FB1] =	sst s3  }
0xc: {  	[smem:$0x3FB2] =	sst s4  }
0xd: {  	[smem:$0x3FB3] =	sst s5  }
0xe: {  	[smem:$0x3FB4] =	sst s6  }
0xf: {  	[smem:$0x3FB5] =	sst s7  }
0x10: {  	[smem:$0x3FB6] =	sst s8  }
0x11: {  	[smem:$0x3FB7] =	sst s9;
	s0 =	simm.s32 @!p0 $0x0  }
0x12: {  	s1 =	sld [smem:$0x3F9D];
	s0 =	simm.s32 @p0 $0x1  }
0x13: {  	[smem:$0x3FB8] =	sst s0;
	s0 =	simm.s32 @!p1 $0x0  }
0x14: {  	s2 =	sld [smem:$0x3F9C];
	s0 =	simm.s32 @p1 $0x1  }
0x15: {  	[smem:$0x3FB9] =	sst s0;
	s0 =	simm.s32 @!p2 $0x0  }
0x16: {  	s3 =	sld [smem:$0x3FDB];
	s0 =	simm.s32 @p2 $0x1  }
0x17: {  	s4 =	simm.s32 $0x1BF5;
	[smem:$0x3FBB] =	sst s0  }
0x18: {  	s0 =	sld [smem:$0x3F9E];
	_ =	swait.ge [sflag:s4], $0x0  }
0x19: {  	s7 =	sld [smem:$0x3F9F]  }
0x1a: {  	s8 =	sadd.s32 $0xFFFFE003, lr  }
0x1b: {  	s9 =	sadd.s32 $0xFFFFFEF7, lr;
	s5 =	simm.s32 $0xFFFFFFFF;
	p2 =	slt.u32 s8, $0xFFFFF086  }
0x1c: {  	p1 =	slt.u32 s9, $0xF7A;
	s5 =	simm.s32 @!p2 $0x0  }
0x1d: {  	s5 =	simm.s32 @p1 $0x1;
	p0 =	seq.s32 s7, s2  }
0x1e: {  	s7 =	smul.u32 @!p0 $0xF7A, s2;
	p2 =	seq.s32 @!p0 s5, $0x0  }
0x1f: {  	s9 =	smul.u32 $0xF7A, s1;
	s8 =	simm.s32 @!p0 $0x1BF5;
	p2 =	por !p2, p0  }
0x20: {  	[sflag:s8] =	ssyncset.s32 @!p0 $0xFFFFF086;
	s6 =	sadd.s32 @!p0 s3, s7;
	s7 =	simm.s32 @!p0 $0x108  }
0x21: {  	s3 =	sadd.s32 s3, s9;
	s6 =	sadd.s32 @!p0 $0x88, s6;
	s7 =	simm.s32 @p2 $0x1082  }
0x22: {  	[simem:s7], [sflag:s8] =	dma.local @!p0 [hbm:s6], $0xF7A  }
0x23: {  	s9 =	sor.u32 $0xD0000000, s2;
	s6 =	simm.s32 $0x108;
	_ =	swait.ge @!p0 [sflag:s8], $0x0  }
0x24: {  	s3 =	sadd.s32 $0x88, s3;
	s6 =	simm.s32 @!p1 $0x1082;
	[sflag:s4] =	ssyncset.s32 $0xFFFFF086  }
0x25: {  	[simem:s6], [sflag:s4] =	dma.local [hbm:s3], $0xF7A  }
0x26: {  	[smem:$0x3F9F] =	sst s1;
	(tag) =	ssettag s2;
	_ =	strace s9  }
0x27: {  	s1 =	sld [smem:$0x3FAF]  }
0x28: {  	s2 =	sld [smem:$0x3FB0]  }
0x29: {  	s4 =	sld [smem:$0x3FB2]  }
0x2a: {  	p0 =	seq.s32 s5, $0x0;
	s5 =	sld [smem:$0x3FB3]  }
0x2b: {  	s6 =	sld [smem:$0x3FB4]  }
0x2c: {  	s7 =	sld [smem:$0x3FB5]  }
0x2d: {  	s3 =	simm.s32 $0x108;
	s8 =	sld [smem:$0x3FB6]  }
0x2e: {  	s3 =	simm.s32 @!p0 $0x1082;
	s9 =	sld [smem:$0x3FB7]  }
0x2f: {  	lr =	sadd.s32 s0, s3;
	s0 =	sld [smem:$0x3FAE]  }
0x30: {  	s3 =	sld [smem:$0x3FB1]  }
0x31: {  	[smem:$0x3FBA] =	sst s10  }
0x32: {  	s10 =	sld [smem:$0x3FB8];
	_ =	sdelay $0x3  }
0x33: {  	p0 =	seq.s32 s10, $0x1;
	s10 =	sld [smem:$0x3FBA];
	_ =	sdelay $0x3  }
0x34: {  	[smem:$0x3FBA] =	sst s10  }
0x35: {  	s10 =	sld [smem:$0x3FB9];
	_ =	sdelay $0x3  }
0x36: {  	p1 =	seq.s32 s10, $0x1;
	s10 =	sld [smem:$0x3FBA];
	_ =	sdelay $0x3  }
0x37: {  	[smem:$0x3FBA] =	sst s10  }
0x38: {  	s10 =	sld [smem:$0x3FBB]  }
0x39: {  	_ = 	snop;
	(pc) =	sbr.ind lr, $3  }
0x3a: {  	_ = 	snop  }
0x3b: {  	_ = 	snop  }
0x3c: {  	p2 =	seq.s32 s10, $0x1;
	s10 =	sld [smem:$0x3FBA]  }
0x3d: {  	_ =	shalt  }
0x3e: {  	_ =	shalt  }
0x3f: {  	_ =	shalt  }
0x40: {  	_ =	shalt  }
0x41: {  	_ =	shalt  }
0x42: {  	_ =	shalt  }
0x43: {  	_ =	shalt  }
0x44: {  	_ =	shalt  }
0x45: {  	_ =	shalt  }
0x46: {  	_ =	shalt  }
0x47: {  	_ =	shalt  }
0x48: {  	_ =	shalt  }
0x49: {  	_ =	shalt  }
0x4a: {  	_ =	shalt  }
0x4b: {  	_ =	shalt  }
0x4c: {  	_ =	shalt  }
0x4d: {  	_ =	shalt  }
0x4e: {  	_ =	shalt  }
0x4f: {  	_ =	shalt  }
0x50: {  	_ =	shalt  }
0x51: {  	_ =	shalt  }
0x52: {  	_ =	shalt  }
0x53: {  	_ =	shalt  }
0x54: {  	_ =	shalt  }
0x55: {  	_ =	shalt  }
0x56: {  	_ =	shalt  }
0x57: {  	_ =	shalt  }
0x58: {  	_ =	shalt  }
0x59: {  	_ =	shalt  }
0x5a: {  	_ =	shalt  }
0x5b: {  	_ =	shalt  }
0x5c: {  	_ =	shalt  }
0x5d: {  	_ =	shalt  }
0x5e: {  	_ =	shalt  }
0x5f: {  	_ =	shalt  }
0x60: {  	_ =	shalt  }
0x61: {  	_ =	shalt  }
0x62: {  	_ =	shalt  }
0x63: {  	_ =	shalt  }
0x64: {  	_ =	shalt  }
0x65: {  	_ =	shalt  }
0x66: {  	_ =	shalt  }
0x67: {  	_ =	shalt  }
0x68: {  	_ =	shalt  }
0x69: {  	_ =	shalt  }
0x6a: {  	_ =	shalt  }
0x6b: {  	_ =	shalt  }
0x6c: {  	_ =	shalt  }
0x6d: {  	_ =	shalt  }
0x6e: {  	_ =	shalt  }
0x6f: {  	_ =	shalt  }
0x70: {  	_ =	shalt  }
0x71: {  	_ =	shalt  }
0x72: {  	_ =	shalt  }
0x73: {  	_ =	shalt  }
0x74: {  	_ =	shalt  }
0x75: {  	_ =	shalt  }
0x76: {  	_ =	shalt  }
0x77: {  	_ =	shalt  }
0x78: {  	_ =	shalt  }
0x79: {  	_ =	shalt  }
0x7a: {  	_ =	shalt  }
0x7b: {  	_ =	shalt  }
0x7c: {  	_ =	shalt  }
0x7d: {  	_ =	shalt  }
0x7e: {  	_ =	shalt  }
0x7f: {  	_ =	shalt  }
0x80: {  	_ =	shalt  }
0x81: {  	_ =	shalt  }
0x82: {  	_ =	shalt  }
0x83: {  	_ =	shalt  }
0x84: {  	_ =	shalt  }
0x85: {  	_ =	shalt  }
0x86: {  	_ =	shalt  }
0x87: {  	_ =	shalt  }
.Lfunc_end0:
.L_simem_size_0:
called_computation_lowered:
.L_overlay_start_0:
0x88: {  	s2 =	sld [smem:$0x3FD9]  }
0x89: {  	s3 =	sld [smem:$0x3FFE];
	_ =	sdelay $0x1  }
0x8a: {  	s1 =	srdreg.scid  }
0x8b: {  	s0 =	sand.u32 $0x1, s1  }
0x8c: {  	s18 =	sshll.u32 s0, $0xA;
	s2 =	sadd.s32 s3, s2  }
0x8d: {  	s2 =	sadd.s32 s2, s18  }
0x8e: {  	[smem:$0x3FC6] =	sst s2  }
0x8f: {  	_ = 	snop  }
0x90: {  	s2 =	sld [smem:$0x3FC9]  }
0x91: {  	s19 =	sld [smem:$0x3FC8]  }
0x92: {  	s4 =	sld [smem:$0x3FD0];
	(tm) =	ssettm $0x1  }
0x93: {  	s5 =	sld [smem:$0x3FFB];
	_ =	sdelay $0x3  }
0x94: {  	_ =	strace s5  }
0x95: {  	s5 =	sld [smem:$0x3FFC];
	_ =	sdelay $0x3  }
0x96: {  	_ =	strace s5  }
0x97: {  	s5 =	sld [smem:$0x3FFD];
	_ =	sdelay $0x3  }
0x98: {  	_ =	strace s5  }
0x99: {  	_ =	strace $0x8FFFFFFF  }
0x9a: {  	s20 =	sld [smem:$0x3FDB];
	_ =	sdelay $0x1  }
0x9b: {  	s6 =	simm.s32 $_scs_section_size  }
0x9c: {  	s7 =	simm.s32 $_size__tile_overlayer_lowered;
	s8 =	simm.s32 $_tile_overlayer_lowered  }
0x9d: {  	s23 =	simm.s32 $0x1BFF;
	s22 =	sshll.u32 s8, $0x1;
	s5 =	sadd.s32 s6, s20  }
0x9e: {  	s9 =	simm.s32 $0x0;
	s21 =	sshll.u32 s7, $0x1;
	s7 =	sadd.s32 s22, s5  }
0x9f: {  	[timem:s9], [sflag:s23] =	dma.local [hbm:s7], s21  }
0xa0: {  	_ =	swait.ge [sflag:s23], s21  }
0xa1: {  	s6 =	ssub.s32 $0x0, s21;
	[sflag:s23] =	ssyncset.done $0x0  }
0xa2: {  	[sflag:s23] =	ssyncadd.s32 s6;
	_ =	sdelay $0x1  }
0xa3: {  	s24 =	simm.s32 $0x1B8B  }
0xa4: {  	_ =	swait.ge [sflag:s24], $0x1  }
0xa5: {  	[sflag:s24] =	ssyncset.done $0x0  }
0xa6: {  	s25 =	simm.s32 $0x1B8E;
	[sflag:s24] =	ssyncadd.s32 $0xFFFFFFFF  }
0xa7: {  	s26 =	simm.s32 $execute0_lowered;
	[smem:$0x3FD2] =	sst s25  }
0xa8: {  	s6 =	sshll.u32 s26, $0x1;
	_ =	strace $0x80000046;
	[dreg:$0x1] =	wrdreg $0xFFFFFFFF  }
0xa9: {  	s28 =	simm.s32 $_size_execute0_lowered;
	s5 =	sadd.s32 s5, s6;
	[dreg:$0x0] =	wrdreg $0x0  }
0xaa: {  	s6 =	sshll.u32 s28, $0x1;
	[dreg:$0x2] =	wrdreg s5  }
0xab: {  	[dreg:$0x3] =	wrdreg s6  }
0xac: {  	[dreg:$0x4] =	wrdreg $0xC0  }
0xad: {  	_ =	task [dreg:s9], $0x5FFFF  }
0xae: {  	[dreg:$0x1] =	wrdreg $0xFFFFFFFF  }
0xaf: {  	[dreg:$0x0] =	wrdreg $0x60  }
0xb0: {  	[dreg:$0x2] =	wrdreg s2  }
0xb1: {  	[dreg:$0x3] =	wrdreg s19  }
0xb2: {  	[dreg:$0x4] =	wrdreg s4  }
0xb3: {  	[dreg:$0x5] =	wrdreg $0x9  }
0xb4: {  	_ =	task.clear_ibuf [dreg:s9], $0x6FFFF;
	_ =	strace $0x90000046  }
0xb5: {  	s29 =	simm.s32 $0x9;
	_ =	strace $0x80000048  }
0xb6: {  	_ =	swait.ge [sflag:s29], $0x1  }
0xb7: {  	[sflag:s29] =	ssyncadd.s32 $0xFFFFFFFF  }
0xb8: {  	_ =	strace $0x90000048  }
0xb9: {  	_ =	sfence  }
0xba: {  	s30 =	sld [smem:$0x0];
	_ =	sdelay $0x2  }
0xbb: {  	s31 =	sshll.u32 s1, $0xD;
	s1 =	sshrl.u32 s1, $0x2  }
0xbc: {  	s3 =	sand.u32 $0x4000, s31;
	s1 =	sadd.s32 s1, s30  }
0xbd: {  	s0 =	sor.u32 s3, s0;
	s1 =	sshll.u32 s1, $0x11  }
0xbe: {  	s0 =	sor.u32 s1, s0  }
0xbf: {  	s0 =	sadd.s32 $0x8F2B, s0  }
0xc0: {  	[sflag:s0] =	ssyncadd.remote.s32 $0x1  }
0xc1: {  	_ =	sfence.sel $0xFFFF  }
0xc2: {  	[dreg:$0x0] =	wrdreg $0xFFFFFFFF;
	(pc) =	sbr.abs _section_cstart, $3  }
0xc3: {  	[dreg:$0x1] =	wrdreg $0xFFFFFFFF  }
0xc4: {  	_ =	task.clear_ibuf [dreg:s9], $0x2FFFF;
	_ =	strace $0x9FFFFFFF  }
0xc5: {  	(tm) =	ssettm $0x7FFFFFFF  }
tec
execute0_lowered:
.L_overlay_start_1:
0x0: {  	(tag) =	ssettag $0x1  }
0x1: {  	s2 =	rddreg [dreg:$0x0]  }
0x2: {  	s3 =	rddreg [dreg:$0x1]  }
0x3: {  	s0 =	srdreg.scid;
	s4 =	rddreg [dreg:$0x2]  }
0x4: {  	s1 =	stileid.u32;
	s5 =	simm.s32 $0x0;
	s28 =	simm.s32 $0x2000  }
0x5: {  	s29 =	simm.s32 $0xC000;
	s30 =	simm.s32 $0xE000;
	s31 =	simm.s32 $0x10000  }
0x6: {  	s14 =	simm.s32 $0x4;
	s15 =	simm.s32 $0x0;
	s0 =	sand.u32 $0x1, s0  }
0x7: {  	s1 =	sshll.u32 s1, $0x8;
	[smem:$0x7FF] =	sst s5;
	s6 =	sshll.u32 s0, $0x7  }
0x8: {  	s12 =	sadd.s32 $0x40, s4;
	s0 =	ssub.s32 $0x2, s0;
	s1 =	sor.u32 s6, s1  }
0x9: {  	_ =	strace $0x80000047;
	s7 =	sshrl.u32 s0, $0x1;
	s6 =	sshll.u32 s1, $0x8  }
0xa: {  	s0 =	ssub.s32 s0, s7;
	s11 =	sshrl.u32 s1, $0x3;
	s8 =	sadd.s32 s3, s6  }
0xb: {  	s1 =	simm.s32 $0x1;
	s0 =	smax.u32 s0, $0x1;
	[dreg:$0x4] =	wrdreg s8  }
0xc: {  	s19 =	sor.u32 $0x40, s6;
	s20 =	sadd.s32 s2, s6;
	[dreg:$0x7] =	wrdreg s0  }
0xd: {  	s7 =	simm.s32 $0x2;
	s9 =	sadd.s32 s3, s19;
	[dreg:$0x5] =	wrdreg s20  }
0xe: {  	s13 =	sor.u32 $0x800, s6;
	s21 =	sadd.s32 $0x100000, s20;
	[dreg:$0x6] =	wrdreg s9  }
0xf: {  	s10 =	sadd.s32 s2, s19;
	s22 =	sadd.s32 $0x200000, s20;
	[dreg:$0x8] =	wrdreg s21  }
0x10: {  	s23 =	sadd.s32 $0x300000, s20;
	s0 =	simm.s32 $0x12000;
	[dreg:$0x9] =	wrdreg s22  }
.Ltmp0:
0x11: {  	[dreg:$0xa] =	wrdreg s23;
	s24 =	sadd.s32 $0x100000, s10;
	(pc) =	sbr.rel .LBB2_1-.Ltmp0, $4  }
0x12: {  	s25 =	sadd.s32 $0x200000, s10;
	s26 =	sadd.s32 $0x300000, s10;
	[dreg:$0xb] =	wrdreg s24  }
0x13: {  	s21 =	simm.s32 $0x200;
	s22 =	simm.s32 $0x400;
	[dreg:$0xc] =	wrdreg s25  }
0x14: {  	s23 =	simm.s32 $0x4000;
	s9 =	simm.s32 $0x3;
	[dreg:$0xd] =	wrdreg s26  }
0x15: {  	s24 =	simm.s32 $0x6000;
	s25 =	simm.s32 $0x8000;
	s26 =	simm.s32 $0xA000  }
.LBB2_12:
0x16: {  	_ =	swait.ge [sflag:s14], $0x8000  }
0x17: {  	s15 =	sadd.s32 $0x1, s15;
	s8 =	rddreg [dreg:$0x7]  }
0x18: {  	p0 =	sne.s32 s15, s8  }
.Ltmp1:
0x19: {  	_ = 	snop;
	(pc) =	sbr.rel @!p0 .LBB2_13-.Ltmp1, $3  }
0x1a: {  	_ =	sdelay $0x1  }
0x1b: {  	[sflag:s14] =	ssyncset.done $0x0  }
0x1c: {  	[sflag:s14] =	ssyncadd.s32 $0xFFFF8000  }
.LBB2_1:
0x1d: {  	s8 =	rddreg [dreg:$0x4]  }
0x1e: {  	[tilespmem:s5], [sflag:$0x1] =	stream.strided.gather [hbm4b:s8+s21], $0x2000, s22, s21, $0x38;
	[tilespmem:$0x14000] =	vst v63  }
0x1f: {  	s18 =	rddreg [dreg:$0x5]  }
0x20: {  	[tilespmem:s23], [sflag:$0x1] =	stream.strided.gather [hbm4b:s18+s21], $0x2000, s22, s21, $0x38;
	[tilespmem:$0x14000] =	vst v63  }
0x21: {  	s19 =	rddreg [dreg:$0x8]  }
0x22: {  	[tilespmem:s24], [sflag:$0x1] =	stream.strided.gather [hbm4b:s19+s21], $0x2000, s22, s21, $0x38;
	[tilespmem:$0x14000] =	vst v63  }
0x23: {  	s20 =	rddreg [dreg:$0x9]  }
0x24: {  	[tilespmem:s25], [sflag:$0x1] =	stream.strided.gather [hbm4b:s20+s21], $0x2000, s22, s21, $0x38;
	[tilespmem:$0x14000] =	vst v63  }
0x25: {  	s16 =	rddreg [dreg:$0xa]  }
0x26: {  	[tilespmem:s26], [sflag:$0x1] =	stream.strided.gather [hbm4b:s16+s21], $0x2000, s22, s21, $0x38;
	[tilespmem:$0x14000] =	vst v63  }
0x27: {  	s17 =	rddreg [dreg:$0x6]  }
0x28: {  	[tilespmem:s28], [sflag:$0x2] =	stream.strided.gather [hbm4b:s17+s21], $0x2000, s22, s21, $0x38;
	[tilespmem:$0x14000] =	vst v63  }
0x29: {  	_ = 	snop  }
0x2a: {  	[tilespmem:s29], [sflag:$0x2] =	stream.strided.gather [hbm4b:s10+s21], $0x2000, s22, s21, $0x38;
	[tilespmem:$0x14000] =	vst v63  }
0x2b: {  	s18 =	rddreg [dreg:$0xb]  }
0x2c: {  	[tilespmem:s30], [sflag:$0x2] =	stream.strided.gather [hbm4b:s18+s21], $0x2000, s22, s21, $0x38;
	[tilespmem:$0x14000] =	vst v63  }
0x2d: {  	s19 =	rddreg [dreg:$0xc]  }
0x2e: {  	[tilespmem:s31], [sflag:$0x2] =	stream.strided.gather [hbm4b:s19+s21], $0x2000, s22, s21, $0x38;
	[tilespmem:$0x14000] =	vst v63  }
0x2f: {  	s20 =	rddreg [dreg:$0xd];
	s16 =	simm.s32 $0x0  }
0x30: {  	[tilespmem:s0], [sflag:$0x2] =	stream.strided.gather [hbm4b:s20+s21], $0x2000, s22, s21, $0x38;
	[tilespmem:$0x14000] =	vst v63  }
.LBB2_2:
0x31: {  	_ =	swait.ge [sflag:s1], $0x2000  }
0x32: {  	[sflag:s1] =	ssyncset.done $0x0  }
0x33: {  	[sflag:s1] =	ssyncadd.s32 $0xFFFFE000  }
0x34: {  	_ =	swait.ge [sflag:s1], $0x8000  }
0x35: {  	[sflag:s1] =	ssyncset.done $0x0  }
0x36: {  	s17 =	simm.s32 $0x0;
	s18 =	simm.s32 $0x0;
	[sflag:s1] =	ssyncadd.s32 $0xFFFF8000  }
.LBB2_3:
0x37: {  	s19 =	sshra.s32 s17, $0x2  }
0x38: {  	v0 =	vld [tilespmem:s19+$0x270]  }
0x39: {  	v1 =	vld [tilespmem:s19+$0x0]  }
0x3a: {  	v2 =	vld [tilespmem:s19+$0x10]  }
0x3b: {  	v3 =	vld [tilespmem:s19+$0x20]  }
0x3c: {  	v4 =	vld [tilespmem:s19+$0x30]  }
0x3d: {  	v5 =	vld [tilespmem:s19+$0x40]  }
0x3e: {  	v6 =	vld [tilespmem:s19+$0x50]  }
0x3f: {  	v7 =	vld [tilespmem:s19+$0x60]  }
0x40: {  	v8 =	vld [tilespmem:s19+$0x70]  }
0x41: {  	v9 =	vld [tilespmem:s19+$0x200]  }
0x42: {  	v10 =	vld [tilespmem:s19+$0x210]  }
0x43: {  	v11 =	vld [tilespmem:s19+$0x220]  }
0x44: {  	v12 =	vld [tilespmem:s19+$0x230]  }
0x45: {  	v13 =	vld [tilespmem:s19+$0x240]  }
0x46: {  	v14 =	vld [tilespmem:s19+$0x250]  }
0x47: {  	v15 =	vld [tilespmem:s19+$0x260]  }
0x48: {  	[tilespmem:s19+$0xA270] =	vst.add.f32.msk $0xffff, v0  }
0x49: {  	[tilespmem:s19+$0x4000] =	vst.add.f32.msk $0xffff, v1  }
0x4a: {  	[tilespmem:s19+$0x6000] =	vst.add.f32.msk $0xffff, v1  }
0x4b: {  	[tilespmem:s19+$0x8000] =	vst.add.f32.msk $0xffff, v1  }
0x4c: {  	[tilespmem:s19+$0xA000] =	vst.add.f32.msk $0xffff, v1  }
0x4d: {  	[tilespmem:s19+$0x4010] =	vst.add.f32.msk $0xffff, v2  }
0x4e: {  	[tilespmem:s19+$0x6010] =	vst.add.f32.msk $0xffff, v2  }
0x4f: {  	[tilespmem:s19+$0x8010] =	vst.add.f32.msk $0xffff, v2  }
0x50: {  	[tilespmem:s19+$0xA010] =	vst.add.f32.msk $0xffff, v2  }
0x51: {  	[tilespmem:s19+$0x4020] =	vst.add.f32.msk $0xffff, v3  }
0x52: {  	[tilespmem:s19+$0x6020] =	vst.add.f32.msk $0xffff, v3  }
0x53: {  	[tilespmem:s19+$0x8020] =	vst.add.f32.msk $0xffff, v3  }
0x54: {  	[tilespmem:s19+$0xA020] =	vst.add.f32.msk $0xffff, v3  }
0x55: {  	[tilespmem:s19+$0x4030] =	vst.add.f32.msk $0xffff, v4  }
0x56: {  	[tilespmem:s19+$0x6030] =	vst.add.f32.msk $0xffff, v4  }
0x57: {  	[tilespmem:s19+$0x8030] =	vst.add.f32.msk $0xffff, v4  }
0x58: {  	[tilespmem:s19+$0xA030] =	vst.add.f32.msk $0xffff, v4  }
0x59: {  	[tilespmem:s19+$0x4040] =	vst.add.f32.msk $0xffff, v5  }
0x5a: {  	[tilespmem:s19+$0x6040] =	vst.add.f32.msk $0xffff, v5  }
0x5b: {  	[tilespmem:s19+$0x8040] =	vst.add.f32.msk $0xffff, v5  }
0x5c: {  	[tilespmem:s19+$0xA040] =	vst.add.f32.msk $0xffff, v5  }
0x5d: {  	[tilespmem:s19+$0x4050] =	vst.add.f32.msk $0xffff, v6  }
0x5e: {  	[tilespmem:s19+$0x6050] =	vst.add.f32.msk $0xffff, v6  }
0x5f: {  	[tilespmem:s19+$0x8050] =	vst.add.f32.msk $0xffff, v6  }
0x60: {  	[tilespmem:s19+$0xA050] =	vst.add.f32.msk $0xffff, v6  }
0x61: {  	[tilespmem:s19+$0x4060] =	vst.add.f32.msk $0xffff, v7  }
0x62: {  	[tilespmem:s19+$0x6060] =	vst.add.f32.msk $0xffff, v7  }
0x63: {  	[tilespmem:s19+$0x8060] =	vst.add.f32.msk $0xffff, v7  }
0x64: {  	[tilespmem:s19+$0xA060] =	vst.add.f32.msk $0xffff, v7  }
0x65: {  	[tilespmem:s19+$0x4070] =	vst.add.f32.msk $0xffff, v8  }
0x66: {  	[tilespmem:s19+$0x6070] =	vst.add.f32.msk $0xffff, v8  }
0x67: {  	[tilespmem:s19+$0x8070] =	vst.add.f32.msk $0xffff, v8  }
0x68: {  	[tilespmem:s19+$0xA070] =	vst.add.f32.msk $0xffff, v8  }
0x69: {  	[tilespmem:s19+$0x4200] =	vst.add.f32.msk $0xffff, v9  }
0x6a: {  	[tilespmem:s19+$0x6200] =	vst.add.f32.msk $0xffff, v9  }
0x6b: {  	[tilespmem:s19+$0x8200] =	vst.add.f32.msk $0xffff, v9  }
0x6c: {  	[tilespmem:s19+$0xA200] =	vst.add.f32.msk $0xffff, v9  }
0x6d: {  	[tilespmem:s19+$0x4210] =	vst.add.f32.msk $0xffff, v10  }
0x6e: {  	[tilespmem:s19+$0x6210] =	vst.add.f32.msk $0xffff, v10  }
0x6f: {  	[tilespmem:s19+$0x8210] =	vst.add.f32.msk $0xffff, v10  }
0x70: {  	[tilespmem:s19+$0xA210] =	vst.add.f32.msk $0xffff, v10  }
0x71: {  	[tilespmem:s19+$0x4220] =	vst.add.f32.msk $0xffff, v11  }
0x72: {  	[tilespmem:s19+$0x6220] =	vst.add.f32.msk $0xffff, v11  }
0x73: {  	[tilespmem:s19+$0x8220] =	vst.add.f32.msk $0xffff, v11  }
0x74: {  	[tilespmem:s19+$0xA220] =	vst.add.f32.msk $0xffff, v11  }
0x75: {  	[tilespmem:s19+$0x4230] =	vst.add.f32.msk $0xffff, v12  }
0x76: {  	[tilespmem:s19+$0x6230] =	vst.add.f32.msk $0xffff, v12  }
0x77: {  	[tilespmem:s19+$0x8230] =	vst.add.f32.msk $0xffff, v12  }
0x78: {  	[tilespmem:s19+$0xA230] =	vst.add.f32.msk $0xffff, v12  }
0x79: {  	[tilespmem:s19+$0x4240] =	vst.add.f32.msk $0xffff, v13  }
0x7a: {  	[tilespmem:s19+$0x6240] =	vst.add.f32.msk $0xffff, v13  }
0x7b: {  	[tilespmem:s19+$0x8240] =	vst.add.f32.msk $0xffff, v13  }
0x7c: {  	[tilespmem:s19+$0xA240] =	vst.add.f32.msk $0xffff, v13  }
0x7d: {  	[tilespmem:s19+$0x4250] =	vst.add.f32.msk $0xffff, v14  }
0x7e: {  	[tilespmem:s19+$0x6250] =	vst.add.f32.msk $0xffff, v14  }
0x7f: {  	[tilespmem:s19+$0x8250] =	vst.add.f32.msk $0xffff, v14  }
0x80: {  	[tilespmem:s19+$0xA250] =	vst.add.f32.msk $0xffff, v14  }
0x81: {  	[tilespmem:s19+$0x4260] =	vst.add.f32.msk $0xffff, v15  }
0x82: {  	[tilespmem:s19+$0x6260] =	vst.add.f32.msk $0xffff, v15  }
0x83: {  	[tilespmem:s19+$0x8260] =	vst.add.f32.msk $0xffff, v15  }
0x84: {  	[tilespmem:s19+$0xA260] =	vst.add.f32.msk $0xffff, v15  }
0x85: {  	[tilespmem:s19+$0x4270] =	vst.add.f32.msk $0xffff, v0  }
0x86: {  	s20 =	simm.s32 $0x0;
	s8 =	sadd.s32 $0x1000, s17;
	[tilespmem:s19+$0x6270] =	vst.add.f32.msk $0xffff, v0  }
.LBB2_4:
0x87: {  	s20 =	sadd.s32 $0x100, s20;
	[tilespmem:s19+$0x8270] =	vst.add.f32.msk $0xffff, v0;
	s19 =	sshra.s32 s8, $0x2  }
0x88: {  	v0 =	vld [tilespmem:s19+$0x270];
	p0 =	slt.u32 s20, $0x700  }
0x89: {  	v1 =	vld [tilespmem:s19+$0x0]  }
0x8a: {  	v2 =	vld [tilespmem:s19+$0x10]  }
0x8b: {  	v3 =	vld [tilespmem:s19+$0x20]  }
0x8c: {  	v4 =	vld [tilespmem:s19+$0x30]  }
0x8d: {  	[tilespmem:s19+$0xA270] =	vst.add.f32.msk $0xffff, v0  }
0x8e: {  	v5 =	vld [tilespmem:s19+$0x40]  }
0x8f: {  	v6 =	vld [tilespmem:s19+$0x50]  }
0x90: {  	v7 =	vld [tilespmem:s19+$0x60]  }
0x91: {  	v8 =	vld [tilespmem:s19+$0x70]  }
0x92: {  	v9 =	vld [tilespmem:s19+$0x200]  }
0x93: {  	v10 =	vld [tilespmem:s19+$0x210]  }
0x94: {  	v11 =	vld [tilespmem:s19+$0x220]  }
0x95: {  	v12 =	vld [tilespmem:s19+$0x230]  }
0x96: {  	v13 =	vld [tilespmem:s19+$0x240]  }
0x97: {  	v14 =	vld [tilespmem:s19+$0x250]  }
0x98: {  	v15 =	vld [tilespmem:s19+$0x260]  }
0x99: {  	[tilespmem:s19+$0x4000] =	vst.add.f32.msk $0xffff, v1  }
0x9a: {  	[tilespmem:s19+$0x6000] =	vst.add.f32.msk $0xffff, v1  }
0x9b: {  	[tilespmem:s19+$0x8000] =	vst.add.f32.msk $0xffff, v1  }
0x9c: {  	[tilespmem:s19+$0xA000] =	vst.add.f32.msk $0xffff, v1  }
0x9d: {  	[tilespmem:s19+$0x4010] =	vst.add.f32.msk $0xffff, v2  }
0x9e: {  	[tilespmem:s19+$0x6010] =	vst.add.f32.msk $0xffff, v2  }
0x9f: {  	[tilespmem:s19+$0x8010] =	vst.add.f32.msk $0xffff, v2  }
0xa0: {  	[tilespmem:s19+$0xA010] =	vst.add.f32.msk $0xffff, v2  }
0xa1: {  	[tilespmem:s19+$0x4020] =	vst.add.f32.msk $0xffff, v3  }
0xa2: {  	[tilespmem:s19+$0x6020] =	vst.add.f32.msk $0xffff, v3  }
0xa3: {  	[tilespmem:s19+$0x8020] =	vst.add.f32.msk $0xffff, v3  }
0xa4: {  	[tilespmem:s19+$0xA020] =	vst.add.f32.msk $0xffff, v3  }
0xa5: {  	[tilespmem:s19+$0x4030] =	vst.add.f32.msk $0xffff, v4  }
0xa6: {  	[tilespmem:s19+$0x6030] =	vst.add.f32.msk $0xffff, v4  }
0xa7: {  	[tilespmem:s19+$0x8030] =	vst.add.f32.msk $0xffff, v4  }
0xa8: {  	[tilespmem:s19+$0xA030] =	vst.add.f32.msk $0xffff, v4  }
0xa9: {  	[tilespmem:s19+$0x4040] =	vst.add.f32.msk $0xffff, v5  }
0xaa: {  	[tilespmem:s19+$0x6040] =	vst.add.f32.msk $0xffff, v5  }
0xab: {  	[tilespmem:s19+$0x8040] =	vst.add.f32.msk $0xffff, v5  }
0xac: {  	[tilespmem:s19+$0xA040] =	vst.add.f32.msk $0xffff, v5  }
0xad: {  	[tilespmem:s19+$0x4050] =	vst.add.f32.msk $0xffff, v6  }
0xae: {  	[tilespmem:s19+$0x6050] =	vst.add.f32.msk $0xffff, v6  }
0xaf: {  	[tilespmem:s19+$0x8050] =	vst.add.f32.msk $0xffff, v6  }
0xb0: {  	[tilespmem:s19+$0xA050] =	vst.add.f32.msk $0xffff, v6  }
0xb1: {  	[tilespmem:s19+$0x4060] =	vst.add.f32.msk $0xffff, v7  }
0xb2: {  	[tilespmem:s19+$0x6060] =	vst.add.f32.msk $0xffff, v7  }
0xb3: {  	[tilespmem:s19+$0x8060] =	vst.add.f32.msk $0xffff, v7  }
0xb4: {  	[tilespmem:s19+$0xA060] =	vst.add.f32.msk $0xffff, v7  }
0xb5: {  	[tilespmem:s19+$0x4070] =	vst.add.f32.msk $0xffff, v8  }
0xb6: {  	[tilespmem:s19+$0x6070] =	vst.add.f32.msk $0xffff, v8  }
0xb7: {  	[tilespmem:s19+$0x8070] =	vst.add.f32.msk $0xffff, v8  }
0xb8: {  	[tilespmem:s19+$0xA070] =	vst.add.f32.msk $0xffff, v8  }
0xb9: {  	[tilespmem:s19+$0x4200] =	vst.add.f32.msk $0xffff, v9  }
0xba: {  	[tilespmem:s19+$0x6200] =	vst.add.f32.msk $0xffff, v9  }
0xbb: {  	[tilespmem:s19+$0x8200] =	vst.add.f32.msk $0xffff, v9  }
0xbc: {  	[tilespmem:s19+$0xA200] =	vst.add.f32.msk $0xffff, v9  }
0xbd: {  	[tilespmem:s19+$0x4210] =	vst.add.f32.msk $0xffff, v10  }
0xbe: {  	[tilespmem:s19+$0x6210] =	vst.add.f32.msk $0xffff, v10  }
0xbf: {  	[tilespmem:s19+$0x8210] =	vst.add.f32.msk $0xffff, v10  }
0xc0: {  	[tilespmem:s19+$0xA210] =	vst.add.f32.msk $0xffff, v10  }
0xc1: {  	[tilespmem:s19+$0x4220] =	vst.add.f32.msk $0xffff, v11  }
0xc2: {  	[tilespmem:s19+$0x6220] =	vst.add.f32.msk $0xffff, v11  }
0xc3: {  	[tilespmem:s19+$0x8220] =	vst.add.f32.msk $0xffff, v11  }
0xc4: {  	[tilespmem:s19+$0xA220] =	vst.add.f32.msk $0xffff, v11  }
0xc5: {  	[tilespmem:s19+$0x4230] =	vst.add.f32.msk $0xffff, v12  }
0xc6: {  	[tilespmem:s19+$0x6230] =	vst.add.f32.msk $0xffff, v12  }
0xc7: {  	[tilespmem:s19+$0x8230] =	vst.add.f32.msk $0xffff, v12  }
0xc8: {  	[tilespmem:s19+$0xA230] =	vst.add.f32.msk $0xffff, v12  }
0xc9: {  	[tilespmem:s19+$0x4240] =	vst.add.f32.msk $0xffff, v13  }
0xca: {  	[tilespmem:s19+$0x6240] =	vst.add.f32.msk $0xffff, v13  }
0xcb: {  	[tilespmem:s19+$0x8240] =	vst.add.f32.msk $0xffff, v13  }
0xcc: {  	[tilespmem:s19+$0xA240] =	vst.add.f32.msk $0xffff, v13  }
0xcd: {  	[tilespmem:s19+$0x4250] =	vst.add.f32.msk $0xffff, v14  }
0xce: {  	[tilespmem:s19+$0x6250] =	vst.add.f32.msk $0xffff, v14  }
0xcf: {  	[tilespmem:s19+$0x8250] =	vst.add.f32.msk $0xffff, v14  }
0xd0: {  	[tilespmem:s19+$0xA250] =	vst.add.f32.msk $0xffff, v14  }
0xd1: {  	[tilespmem:s19+$0x4260] =	vst.add.f32.msk $0xffff, v15  }
.Ltmp2:
0xd2: {  	[tilespmem:s19+$0x6260] =	vst.add.f32.msk $0xffff, v15;
	(pc) =	sbr.rel @p0 .LBB2_4-.Ltmp2, $4  }
0xd3: {  	[tilespmem:s19+$0x8260] =	vst.add.f32.msk $0xffff, v15  }
0xd4: {  	[tilespmem:s19+$0xA260] =	vst.add.f32.msk $0xffff, v15  }
0xd5: {  	[tilespmem:s19+$0x4270] =	vst.add.f32.msk $0xffff, v0  }
0xd6: {  	s8 =	sadd.s32 $0x1000, s8;
	[tilespmem:s19+$0x6270] =	vst.add.f32.msk $0xffff, v0  }
0xd7: {  	s18 =	sadd.s32 $0x1, s18  }
0xd8: {  	p0 =	sne.s32 s18, $0x4  }
.Ltmp3:
0xd9: {  	_ = 	snop;
	(pc) =	sbr.rel @p0 .LBB2_3-.Ltmp3, $2  }
0xda: {  	_ =	sdelay $0x2  }
0xdb: {  	[tilespmem:s19+$0x8270] =	vst.add.f32.msk $0xffff, v0;
	s17 =	sadd.s32 $0x200, s17  }
0xdc: {  	s8 =	sadd.s32 s11, s16  }
0xdd: {  	s8 =	sshll.u32 s8, $0xB  }
0xde: {  	s8 =	sadd.s32 s4, s8  }
0xdf: {  	[hbm4b:s8+s21] =	stream.strided.scatter [tilespmem:s23], [sflag:$0x3], $0x2000, s22, s21, $0x38;
	[tilespmem:$0x14000] =	vst v63  }
0xe0: {  	s17 =	sadd.s32 $0x100000, s8  }
0xe1: {  	[hbm4b:s17+s21] =	stream.strided.scatter [tilespmem:s24], [sflag:$0x3], $0x2000, s22, s21, $0x38;
	[tilespmem:$0x14000] =	vst v63  }
0xe2: {  	s20 =	sadd.s32 $0x200000, s8  }
0xe3: {  	[hbm4b:s20+s21] =	stream.strided.scatter [tilespmem:s25], [sflag:$0x3], $0x2000, s22, s21, $0x38;
	[tilespmem:$0x14000] =	vst v63  }
0xe4: {  	s8 =	sadd.s32 $0x300000, s8  }
0xe5: {  	[hbm4b:s8+s21] =	stream.strided.scatter [tilespmem:s26], [sflag:$0x3], $0x2000, s22, s21, $0x38;
	[tilespmem:$0x14000] =	vst v63  }
0xe6: {  	_ =	swait.ge [sflag:s7], $0x2000  }
0xe7: {  	[sflag:s7] =	ssyncset.done $0x0  }
0xe8: {  	[sflag:s7] =	ssyncadd.s32 $0xFFFFE000  }
0xe9: {  	_ =	swait.ge [sflag:s7], $0x8000  }
0xea: {  	[sflag:s7] =	ssyncset.done $0x0  }
0xeb: {  	s18 =	simm.s32 $0x0;
	s17 =	simm.s32 $0x0;
	[sflag:s7] =	ssyncadd.s32 $0xFFFF8000  }
.LBB2_7:
0xec: {  	s19 =	sshra.s32 s17, $0x2  }
0xed: {  	v0 =	vld [tilespmem:s19+$0x2270]  }
0xee: {  	v1 =	vld [tilespmem:s19+$0x2000]  }
0xef: {  	v2 =	vld [tilespmem:s19+$0x2010]  }
0xf0: {  	v3 =	vld [tilespmem:s19+$0x2020]  }
0xf1: {  	v4 =	vld [tilespmem:s19+$0x2030]  }
0xf2: {  	v5 =	vld [tilespmem:s19+$0x2040]  }
0xf3: {  	v6 =	vld [tilespmem:s19+$0x2050]  }
0xf4: {  	v7 =	vld [tilespmem:s19+$0x2060]  }
0xf5: {  	v8 =	vld [tilespmem:s19+$0x2070]  }
0xf6: {  	v9 =	vld [tilespmem:s19+$0x2200]  }
0xf7: {  	v10 =	vld [tilespmem:s19+$0x2210]  }
0xf8: {  	v11 =	vld [tilespmem:s19+$0x2220]  }
0xf9: {  	v12 =	vld [tilespmem:s19+$0x2230]  }
0xfa: {  	v13 =	vld [tilespmem:s19+$0x2240]  }
0xfb: {  	v14 =	vld [tilespmem:s19+$0x2250]  }
0xfc: {  	v15 =	vld [tilespmem:s19+$0x2260]  }
0xfd: {  	[tilespmem:s19+$0x12270] =	vst.add.f32.msk $0xffff, v0  }
0xfe: {  	[tilespmem:s19+$0xC000] =	vst.add.f32.msk $0xffff, v1  }
0xff: {  	[tilespmem:s19+$0xE000] =	vst.add.f32.msk $0xffff, v1  }
0x100: {  	[tilespmem:s19+$0x10000] =	vst.add.f32.msk $0xffff, v1  }
0x101: {  	[tilespmem:s19+$0x12000] =	vst.add.f32.msk $0xffff, v1  }
0x102: {  	[tilespmem:s19+$0xC010] =	vst.add.f32.msk $0xffff, v2  }
0x103: {  	[tilespmem:s19+$0xE010] =	vst.add.f32.msk $0xffff, v2  }
0x104: {  	[tilespmem:s19+$0x10010] =	vst.add.f32.msk $0xffff, v2  }
0x105: {  	[tilespmem:s19+$0x12010] =	vst.add.f32.msk $0xffff, v2  }
0x106: {  	[tilespmem:s19+$0xC020] =	vst.add.f32.msk $0xffff, v3  }
0x107: {  	[tilespmem:s19+$0xE020] =	vst.add.f32.msk $0xffff, v3  }
0x108: {  	[tilespmem:s19+$0x10020] =	vst.add.f32.msk $0xffff, v3  }
0x109: {  	[tilespmem:s19+$0x12020] =	vst.add.f32.msk $0xffff, v3  }
0x10a: {  	[tilespmem:s19+$0xC030] =	vst.add.f32.msk $0xffff, v4  }
0x10b: {  	[tilespmem:s19+$0xE030] =	vst.add.f32.msk $0xffff, v4  }
0x10c: {  	[tilespmem:s19+$0x10030] =	vst.add.f32.msk $0xffff, v4  }
0x10d: {  	[tilespmem:s19+$0x12030] =	vst.add.f32.msk $0xffff, v4  }
0x10e: {  	[tilespmem:s19+$0xC040] =	vst.add.f32.msk $0xffff, v5  }
0x10f: {  	[tilespmem:s19+$0xE040] =	vst.add.f32.msk $0xffff, v5  }
0x110: {  	[tilespmem:s19+$0x10040] =	vst.add.f32.msk $0xffff, v5  }
0x111: {  	[tilespmem:s19+$0x12040] =	vst.add.f32.msk $0xffff, v5  }
0x112: {  	[tilespmem:s19+$0xC050] =	vst.add.f32.msk $0xffff, v6  }
0x113: {  	[tilespmem:s19+$0xE050] =	vst.add.f32.msk $0xffff, v6  }
0x114: {  	[tilespmem:s19+$0x10050] =	vst.add.f32.msk $0xffff, v6  }
0x115: {  	[tilespmem:s19+$0x12050] =	vst.add.f32.msk $0xffff, v6  }
0x116: {  	[tilespmem:s19+$0xC060] =	vst.add.f32.msk $0xffff, v7  }
0x117: {  	[tilespmem:s19+$0xE060] =	vst.add.f32.msk $0xffff, v7  }
0x118: {  	[tilespmem:s19+$0x10060] =	vst.add.f32.msk $0xffff, v7  }
0x119: {  	[tilespmem:s19+$0x12060] =	vst.add.f32.msk $0xffff, v7  }
0x11a: {  	[tilespmem:s19+$0xC070] =	vst.add.f32.msk $0xffff, v8  }
0x11b: {  	[tilespmem:s19+$0xE070] =	vst.add.f32.msk $0xffff, v8  }
0x11c: {  	[tilespmem:s19+$0x10070] =	vst.add.f32.msk $0xffff, v8  }
0x11d: {  	[tilespmem:s19+$0x12070] =	vst.add.f32.msk $0xffff, v8  }
0x11e: {  	[tilespmem:s19+$0xC200] =	vst.add.f32.msk $0xffff, v9  }
0x11f: {  	[tilespmem:s19+$0xE200] =	vst.add.f32.msk $0xffff, v9  }
0x120: {  	[tilespmem:s19+$0x10200] =	vst.add.f32.msk $0xffff, v9  }
0x121: {  	[tilespmem:s19+$0x12200] =	vst.add.f32.msk $0xffff, v9  }
0x122: {  	[tilespmem:s19+$0xC210] =	vst.add.f32.msk $0xffff, v10  }
0x123: {  	[tilespmem:s19+$0xE210] =	vst.add.f32.msk $0xffff, v10  }
0x124: {  	[tilespmem:s19+$0x10210] =	vst.add.f32.msk $0xffff, v10  }
0x125: {  	[tilespmem:s19+$0x12210] =	vst.add.f32.msk $0xffff, v10  }
0x126: {  	[tilespmem:s19+$0xC220] =	vst.add.f32.msk $0xffff, v11  }
0x127: {  	[tilespmem:s19+$0xE220] =	vst.add.f32.msk $0xffff, v11  }
0x128: {  	[tilespmem:s19+$0x10220] =	vst.add.f32.msk $0xffff, v11  }
0x129: {  	[tilespmem:s19+$0x12220] =	vst.add.f32.msk $0xffff, v11  }
0x12a: {  	[tilespmem:s19+$0xC230] =	vst.add.f32.msk $0xffff, v12  }
0x12b: {  	[tilespmem:s19+$0xE230] =	vst.add.f32.msk $0xffff, v12  }
0x12c: {  	[tilespmem:s19+$0x10230] =	vst.add.f32.msk $0xffff, v12  }
0x12d: {  	[tilespmem:s19+$0x12230] =	vst.add.f32.msk $0xffff, v12  }
0x12e: {  	[tilespmem:s19+$0xC240] =	vst.add.f32.msk $0xffff, v13  }
0x12f: {  	[tilespmem:s19+$0xE240] =	vst.add.f32.msk $0xffff, v13  }
0x130: {  	[tilespmem:s19+$0x10240] =	vst.add.f32.msk $0xffff, v13  }
0x131: {  	[tilespmem:s19+$0x12240] =	vst.add.f32.msk $0xffff, v13  }
0x132: {  	[tilespmem:s19+$0xC250] =	vst.add.f32.msk $0xffff, v14  }
0x133: {  	[tilespmem:s19+$0xE250] =	vst.add.f32.msk $0xffff, v14  }
0x134: {  	[tilespmem:s19+$0x10250] =	vst.add.f32.msk $0xffff, v14  }
0x135: {  	[tilespmem:s19+$0x12250] =	vst.add.f32.msk $0xffff, v14  }
0x136: {  	[tilespmem:s19+$0xC260] =	vst.add.f32.msk $0xffff, v15  }
0x137: {  	[tilespmem:s19+$0xE260] =	vst.add.f32.msk $0xffff, v15  }
0x138: {  	[tilespmem:s19+$0x10260] =	vst.add.f32.msk $0xffff, v15  }
0x139: {  	[tilespmem:s19+$0x12260] =	vst.add.f32.msk $0xffff, v15  }
0x13a: {  	[tilespmem:s19+$0xC270] =	vst.add.f32.msk $0xffff, v0  }
0x13b: {  	s20 =	simm.s32 $0x0;
	s8 =	sadd.s32 $0x1000, s17;
	[tilespmem:s19+$0xE270] =	vst.add.f32.msk $0xffff, v0  }
.LBB2_8:
0x13c: {  	s20 =	sadd.s32 $0x100, s20;
	[tilespmem:s19+$0x10270] =	vst.add.f32.msk $0xffff, v0;
	s19 =	sshra.s32 s8, $0x2  }
0x13d: {  	v0 =	vld [tilespmem:s19+$0x2270];
	p0 =	slt.u32 s20, $0x700  }
0x13e: {  	v1 =	vld [tilespmem:s19+$0x2000]  }
0x13f: {  	v2 =	vld [tilespmem:s19+$0x2010]  }
0x140: {  	v3 =	vld [tilespmem:s19+$0x2020]  }
0x141: {  	v4 =	vld [tilespmem:s19+$0x2030]  }
0x142: {  	[tilespmem:s19+$0x12270] =	vst.add.f32.msk $0xffff, v0  }
0x143: {  	v5 =	vld [tilespmem:s19+$0x2040]  }
0x144: {  	v6 =	vld [tilespmem:s19+$0x2050]  }
0x145: {  	v7 =	vld [tilespmem:s19+$0x2060]  }
0x146: {  	v8 =	vld [tilespmem:s19+$0x2070]  }
0x147: {  	v9 =	vld [tilespmem:s19+$0x2200]  }
0x148: {  	v10 =	vld [tilespmem:s19+$0x2210]  }
0x149: {  	v11 =	vld [tilespmem:s19+$0x2220]  }
0x14a: {  	v12 =	vld [tilespmem:s19+$0x2230]  }
0x14b: {  	v13 =	vld [tilespmem:s19+$0x2240]  }
0x14c: {  	v14 =	vld [tilespmem:s19+$0x2250]  }
0x14d: {  	v15 =	vld [tilespmem:s19+$0x2260]  }
0x14e: {  	[tilespmem:s19+$0xC000] =	vst.add.f32.msk $0xffff, v1  }
0x14f: {  	[tilespmem:s19+$0xE000] =	vst.add.f32.msk $0xffff, v1  }
0x150: {  	[tilespmem:s19+$0x10000] =	vst.add.f32.msk $0xffff, v1  }
0x151: {  	[tilespmem:s19+$0x12000] =	vst.add.f32.msk $0xffff, v1  }
0x152: {  	[tilespmem:s19+$0xC010] =	vst.add.f32.msk $0xffff, v2  }
0x153: {  	[tilespmem:s19+$0xE010] =	vst.add.f32.msk $0xffff, v2  }
0x154: {  	[tilespmem:s19+$0x10010] =	vst.add.f32.msk $0xffff, v2  }
0x155: {  	[tilespmem:s19+$0x12010] =	vst.add.f32.msk $0xffff, v2  }
0x156: {  	[tilespmem:s19+$0xC020] =	vst.add.f32.msk $0xffff, v3  }
0x157: {  	[tilespmem:s19+$0xE020] =	vst.add.f32.msk $0xffff, v3  }
0x158: {  	[tilespmem:s19+$0x10020] =	vst.add.f32.msk $0xffff, v3  }
0x159: {  	[tilespmem:s19+$0x12020] =	vst.add.f32.msk $0xffff, v3  }
0x15a: {  	[tilespmem:s19+$0xC030] =	vst.add.f32.msk $0xffff, v4  }
0x15b: {  	[tilespmem:s19+$0xE030] =	vst.add.f32.msk $0xffff, v4  }
0x15c: {  	[tilespmem:s19+$0x10030] =	vst.add.f32.msk $0xffff, v4  }
0x15d: {  	[tilespmem:s19+$0x12030] =	vst.add.f32.msk $0xffff, v4  }
0x15e: {  	[tilespmem:s19+$0xC040] =	vst.add.f32.msk $0xffff, v5  }
0x15f: {  	[tilespmem:s19+$0xE040] =	vst.add.f32.msk $0xffff, v5  }
0x160: {  	[tilespmem:s19+$0x10040] =	vst.add.f32.msk $0xffff, v5  }
0x161: {  	[tilespmem:s19+$0x12040] =	vst.add.f32.msk $0xffff, v5  }
0x162: {  	[tilespmem:s19+$0xC050] =	vst.add.f32.msk $0xffff, v6  }
0x163: {  	[tilespmem:s19+$0xE050] =	vst.add.f32.msk $0xffff, v6  }
0x164: {  	[tilespmem:s19+$0x10050] =	vst.add.f32.msk $0xffff, v6  }
0x165: {  	[tilespmem:s19+$0x12050] =	vst.add.f32.msk $0xffff, v6  }
0x166: {  	[tilespmem:s19+$0xC060] =	vst.add.f32.msk $0xffff, v7  }
0x167: {  	[tilespmem:s19+$0xE060] =	vst.add.f32.msk $0xffff, v7  }
0x168: {  	[tilespmem:s19+$0x10060] =	vst.add.f32.msk $0xffff, v7  }
0x169: {  	[tilespmem:s19+$0x12060] =	vst.add.f32.msk $0xffff, v7  }
0x16a: {  	[tilespmem:s19+$0xC070] =	vst.add.f32.msk $0xffff, v8  }
0x16b: {  	[tilespmem:s19+$0xE070] =	vst.add.f32.msk $0xffff, v8  }
0x16c: {  	[tilespmem:s19+$0x10070] =	vst.add.f32.msk $0xffff, v8  }
0x16d: {  	[tilespmem:s19+$0x12070] =	vst.add.f32.msk $0xffff, v8  }
0x16e: {  	[tilespmem:s19+$0xC200] =	vst.add.f32.msk $0xffff, v9  }
0x16f: {  	[tilespmem:s19+$0xE200] =	vst.add.f32.msk $0xffff, v9  }
0x170: {  	[tilespmem:s19+$0x10200] =	vst.add.f32.msk $0xffff, v9  }
0x171: {  	[tilespmem:s19+$0x12200] =	vst.add.f32.msk $0xffff, v9  }
0x172: {  	[tilespmem:s19+$0xC210] =	vst.add.f32.msk $0xffff, v10  }
0x173: {  	[tilespmem:s19+$0xE210] =	vst.add.f32.msk $0xffff, v10  }
0x174: {  	[tilespmem:s19+$0x10210] =	vst.add.f32.msk $0xffff, v10  }
0x175: {  	[tilespmem:s19+$0x12210] =	vst.add.f32.msk $0xffff, v10  }
0x176: {  	[tilespmem:s19+$0xC220] =	vst.add.f32.msk $0xffff, v11  }
0x177: {  	[tilespmem:s19+$0xE220] =	vst.add.f32.msk $0xffff, v11  }
0x178: {  	[tilespmem:s19+$0x10220] =	vst.add.f32.msk $0xffff, v11  }
0x179: {  	[tilespmem:s19+$0x12220] =	vst.add.f32.msk $0xffff, v11  }
0x17a: {  	[tilespmem:s19+$0xC230] =	vst.add.f32.msk $0xffff, v12  }
0x17b: {  	[tilespmem:s19+$0xE230] =	vst.add.f32.msk $0xffff, v12  }
0x17c: {  	[tilespmem:s19+$0x10230] =	vst.add.f32.msk $0xffff, v12  }
0x17d: {  	[tilespmem:s19+$0x12230] =	vst.add.f32.msk $0xffff, v12  }
0x17e: {  	[tilespmem:s19+$0xC240] =	vst.add.f32.msk $0xffff, v13  }
0x17f: {  	[tilespmem:s19+$0xE240] =	vst.add.f32.msk $0xffff, v13  }
0x180: {  	[tilespmem:s19+$0x10240] =	vst.add.f32.msk $0xffff, v13  }
0x181: {  	[tilespmem:s19+$0x12240] =	vst.add.f32.msk $0xffff, v13  }
0x182: {  	[tilespmem:s19+$0xC250] =	vst.add.f32.msk $0xffff, v14  }
0x183: {  	[tilespmem:s19+$0xE250] =	vst.add.f32.msk $0xffff, v14  }
0x184: {  	[tilespmem:s19+$0x10250] =	vst.add.f32.msk $0xffff, v14  }
0x185: {  	[tilespmem:s19+$0x12250] =	vst.add.f32.msk $0xffff, v14  }
0x186: {  	[tilespmem:s19+$0xC260] =	vst.add.f32.msk $0xffff, v15  }
.Ltmp4:
0x187: {  	[tilespmem:s19+$0xE260] =	vst.add.f32.msk $0xffff, v15;
	(pc) =	sbr.rel @p0 .LBB2_8-.Ltmp4, $4  }
0x188: {  	[tilespmem:s19+$0x10260] =	vst.add.f32.msk $0xffff, v15  }
0x189: {  	[tilespmem:s19+$0x12260] =	vst.add.f32.msk $0xffff, v15  }
0x18a: {  	[tilespmem:s19+$0xC270] =	vst.add.f32.msk $0xffff, v0  }
0x18b: {  	s8 =	sadd.s32 $0x1000, s8;
	[tilespmem:s19+$0xE270] =	vst.add.f32.msk $0xffff, v0  }
0x18c: {  	s18 =	sadd.s32 $0x1, s18  }
0x18d: {  	p0 =	sne.s32 s18, $0x4  }
.Ltmp5:
0x18e: {  	_ = 	snop;
	(pc) =	sbr.rel @p0 .LBB2_7-.Ltmp5, $2  }
0x18f: {  	_ =	sdelay $0x2  }
0x190: {  	[tilespmem:s19+$0x10270] =	vst.add.f32.msk $0xffff, v0;
	s17 =	sadd.s32 $0x200, s17  }
0x191: {  	s8 =	sshll.u32 s16, $0xB  }
0x192: {  	s17 =	sor.u32 s8, s6  }
0x193: {  	s17 =	sadd.s32 s17, s12  }
0x194: {  	[hbm4b:s17+s21] =	stream.strided.scatter [tilespmem:s29], [sflag:$0x4], $0x2000, s22, s21, $0x38;
	[tilespmem:$0x14000] =	vst v63  }
0x195: {  	s18 =	sadd.s32 $0x100000, s17  }
0x196: {  	[hbm4b:s18+s21] =	stream.strided.scatter [tilespmem:s30], [sflag:$0x4], $0x2000, s22, s21, $0x38;
	[tilespmem:$0x14000] =	vst v63  }
0x197: {  	p0 =	seq.s32 s16, $0xF;
	s20 =	sadd.s32 $0x200000, s17  }
0x198: {  	[hbm4b:s20+s21] =	stream.strided.scatter [tilespmem:s31], [sflag:$0x4], $0x2000, s22, s21, $0x38;
	[tilespmem:$0x14000] =	vst v63  }
.Ltmp6:
0x199: {  	s17 =	sadd.s32 $0x300000, s17;
	(pc) =	sbr.rel @p0 .LBB2_12-.Ltmp6, $4  }
0x19a: {  	[hbm4b:s17+s21] =	stream.strided.scatter [tilespmem:s0], [sflag:$0x4], $0x2000, s22, s21, $0x38;
	[tilespmem:$0x14000] =	vst v63  }
0x19b: {  	_ =	swait.ge [sflag:s9], $0x8000  }
0x19c: {  	[sflag:s9] =	ssyncset.done $0x0  }
0x19d: {  	[sflag:s9] =	ssyncadd.s32 $0xFFFF8000  }
0x19e: {  	s8 =	sadd.s32 s8, s13  }
0x19f: {  	s17 =	sadd.s32 s3, s8  }
0x1a0: {  	[tilespmem:s5], [sflag:$0x1] =	stream.strided.gather [hbm4b:s17+s21], $0x2000, s22, s21, $0x38;
	[tilespmem:$0x14000] =	vst v63  }
0x1a1: {  	s19 =	sadd.s32 s2, s8  }
0x1a2: {  	[tilespmem:s23], [sflag:$0x1] =	stream.strided.gather [hbm4b:s19+s21], $0x2000, s22, s21, $0x38;
	[tilespmem:$0x14000] =	vst v63  }
0x1a3: {  	s18 =	sadd.s32 $0x100000, s19  }
0x1a4: {  	[tilespmem:s24], [sflag:$0x1] =	stream.strided.gather [hbm4b:s18+s21], $0x2000, s22, s21, $0x38;
	[tilespmem:$0x14000] =	vst v63  }
0x1a5: {  	s20 =	sadd.s32 $0x200000, s19  }
0x1a6: {  	[tilespmem:s25], [sflag:$0x1] =	stream.strided.gather [hbm4b:s20+s21], $0x2000, s22, s21, $0x38;
	[tilespmem:$0x14000] =	vst v63  }
0x1a7: {  	s17 =	sadd.s32 $0x300000, s19  }
0x1a8: {  	[tilespmem:s26], [sflag:$0x1] =	stream.strided.gather [hbm4b:s17+s21], $0x2000, s22, s21, $0x38;
	[tilespmem:$0x14000] =	vst v63  }
0x1a9: {  	_ =	swait.ge [sflag:s14], $0x8000  }
0x1aa: {  	s8 =	sor.u32 $0x40, s8;
	[sflag:s14] =	ssyncset.done $0x0  }
0x1ab: {  	s18 =	sadd.s32 s3, s8;
	[sflag:s14] =	ssyncadd.s32 $0xFFFF8000  }
0x1ac: {  	[tilespmem:s28], [sflag:$0x2] =	stream.strided.gather [hbm4b:s18+s21], $0x2000, s22, s21, $0x38;
	[tilespmem:$0x14000] =	vst v63  }
0x1ad: {  	s8 =	sadd.s32 s2, s8  }
0x1ae: {  	[tilespmem:s29], [sflag:$0x2] =	stream.strided.gather [hbm4b:s8+s21], $0x2000, s22, s21, $0x38;
	[tilespmem:$0x14000] =	vst v63  }
0x1af: {  	s19 =	sadd.s32 $0x100000, s8  }
0x1b0: {  	[tilespmem:s30], [sflag:$0x2] =	stream.strided.gather [hbm4b:s19+s21], $0x2000, s22, s21, $0x38;
	[tilespmem:$0x14000] =	vst v63  }
.Ltmp7:
0x1b1: {  	_ = 	snop;
	(pc) =	sbr.rel .LBB2_2-.Ltmp7, $4  }
0x1b2: {  	s20 =	sadd.s32 $0x200000, s8  }
0x1b3: {  	[tilespmem:s31], [sflag:$0x2] =	stream.strided.gather [hbm4b:s20+s21], $0x2000, s22, s21, $0x38;
	[tilespmem:$0x14000] =	vst v63  }
0x1b4: {  	s16 =	sadd.s32 $0x1, s16;
	s8 =	sadd.s32 $0x300000, s8  }
0x1b5: {  	[tilespmem:s0], [sflag:$0x2] =	stream.strided.gather [hbm4b:s8+s21], $0x2000, s22, s21, $0x38;
	[tilespmem:$0x14000] =	vst v63  }
.LBB2_13:
0x1b6: {  	_ =	sfence.sel $0x180000  }
0x1b7: {  	[bflag:$0x0] =	sbarrier.arrive $0xFFFF  }
0x1b8: {  	_ =	strace $0x90000047  }
0x1b9: {  	s0 =	stileid.u32;
	[bflag:$0x2] =	sbarrier.arrive $0xFFFF  }
0x1ba: {  	p0 =	sne.s32 s0, $0x0;
	s0 =	rddreg [dreg:$0x3]  }
0x1bb: {  	s0 =	sadd.s32 @!p0 $0x100000, s0  }
0x1bc: {  	[sflag:s0] =	ssyncadd.tile.s32 @!p0 $0x1;
	_ =	shalt  }
.Lfunc_end2:
_tile_overlayer_lowered:
.L_overlay_start_2:
0x1bd: {  	(tag) =	ssettag $0x2  }
0x1be: {  	s0 =	rddreg [dreg:$0x0];
	s2 =	stileid.u32  }
0x1bf: {  	s1 =	rddreg [dreg:$0x1];
	p0 =	sne.s32 s2, $0x0  }
0x1c0: {  	s3 =	rddreg [dreg:$0x2];
	[bflag:$0x3] =	sbarrier.arrive $0xFFFF;
	s2 =	simm.s32 @!p0 $0x1C05  }
0x1c1: {  	[timem:s3], [sflag:s2] =	dma.local @!p0 [hbm:s0], s1  }
0x1c2: {  	s0 =	simm.s32 @!p0 $0x5  }
0x1c3: {  	_ =	swait.ge @!p0 [sflag:s0], s1  }
0x1c4: {  	s1 =	ssub.s32 @!p0 $0x0, s1;
	[sflag:s0] =	ssyncset.done @!p0 $0x0  }
0x1c5: {  	[sflag:s0] =	ssyncadd.s32 @!p0 s1  }
0x1c6: {  	[bflag:$0x3] =	sbarrier.arrive $0xFFFF  }
0x1c7: {  	_ =	shalt  }

</sc_bundles>
